<compile_context>
chip_gen: v7x
topology: tpu7x:2x2x1
jax: 0.10.2.dev20260603
libtpu: 0.0.44.dev20260713+nightly
codegen_flags: <defaults>
</compile_context>

<pallas_src>
import functools

import jax
import jax.numpy as jnp
from jax import lax
from jax.experimental import pallas as pl
from jax.experimental.pallas import tpu as pltpu
from jax.experimental.pallas import tpu_sc as plsc

NC = 2
NS = 16
NW = NC * NS
CH = 128

_mesh = lambda: plsc.VectorSubcoreMesh(core_axis_name="c", subcore_axis_name="s")


def _deg_body(npad, t_chunks, dst_hbm, zeros_hbm, ones_hbm, out_hbm,
              dstv, zbuf, onesv, acc):
  c = lax.axis_index("c")
  s = lax.axis_index("s")
  wid = c * NS + s
  rows = npad // NS
  pltpu.sync_copy(dst_hbm.at[wid], dstv)
  pltpu.sync_copy(zeros_hbm, zbuf)
  pltpu.sync_copy(zbuf, acc.at[pl.ds(s * rows, rows)])
  pltpu.sync_copy(ones_hbm, onesv)
  plsc.subcore_barrier()

  def body(t, carry):
    pltpu.sync_copy(onesv, acc.at[dstv.at[t]], add=True)
    return carry

  lax.fori_loop(0, t_chunks, body, 0)
  plsc.subcore_barrier()
  pltpu.sync_copy(acc.at[pl.ds(s * rows, rows)],
                  out_hbm.at[c, pl.ds(s * rows, rows)])


def _msg_body(npad, t_chunks, h, src_hbm, dst_hbm, y_hbm, zeros_hbm, out_hbm,
              srcv, dstv, zbuf, rowsv, acc):
  c = lax.axis_index("c")
  s = lax.axis_index("s")
  wid = c * NS + s
  rows = npad // NS
  pltpu.sync_copy(src_hbm.at[wid], srcv)
  pltpu.sync_copy(dst_hbm.at[wid], dstv)
  pltpu.sync_copy(zeros_hbm, zbuf)
  pltpu.sync_copy(zbuf, acc.at[pl.ds(s * rows, rows)])
  plsc.subcore_barrier()

  def body(t, carry):
    pltpu.sync_copy(y_hbm.at[srcv.at[t]], rowsv)
    pltpu.sync_copy(rowsv, acc.at[dstv.at[t]], add=True)
    return carry

  lax.fori_loop(0, t_chunks, body, 0)
  plsc.subcore_barrier()
  pltpu.sync_copy(acc.at[pl.ds(s * rows, rows)],
                  out_hbm.at[c, pl.ds(s * rows, rows)])


def _prep_body(xp_ref, we_ref, degp_ref, y_ref, dinv_ref):
  deg = degp_ref[0] + degp_ref[1] + 1.0
  dinv = lax.rsqrt(jnp.maximum(deg[:, 0:1], 1e-12))
  xw = jnp.dot(xp_ref[...], we_ref[...], preferred_element_type=jnp.float32)
  y_ref[...] = xw * dinv
  dinv_ref[...] = dinv


def _dec_body(p_ref, y_ref, dinv_ref, benc_ref, w_ref, bdec_ref, o_ref,
              enc_ref):
  j = pl.program_id(1)

  @pl.when(j == 0)
  def _():
    enc_ref[...] = ((p_ref[0] + p_ref[1] + y_ref[...]) * dinv_ref[...]
                    + benc_ref[...]) * 0.5

  z = jnp.dot(enc_ref[...], w_ref[...], preferred_element_type=jnp.float32)
  o_ref[...] = 0.5 + 0.5 * jnp.tanh(z + bdec_ref[...])


def kernel(x, edge_index, W_enc, b_enc, W_dec, b_dec):
  n, d = x.shape
  h = W_enc.shape[1]
  out_dim = W_dec.shape[1]
  e = edge_index.shape[1]

  npad = ((n + 1 + 511) // 512) * 512
  rows = npad // NS

  ch = 0
  for cand in range(CH, 99, -1):
    if e % (NW * cand) == 0:
      ch = cand
      break
  if ch:
    t_chunks = e // (NW * ch)
    src3 = edge_index[0].reshape(NW, t_chunks, ch)
    dst3 = edge_index[1].reshape(NW, t_chunks, ch)
  else:
    ch = CH
    ep = -(-e // (NW * ch)) * (NW * ch)
    t_chunks = ep // (NW * ch)
    padv = jnp.full((ep - e,), n, jnp.int32)
    src3 = jnp.concatenate([edge_index[0], padv]).reshape(NW, t_chunks, ch)
    dst3 = jnp.concatenate([edge_index[1], padv]).reshape(NW, t_chunks, ch)

  zeros16 = jnp.zeros((rows, 16), jnp.float32)
  ones16 = jnp.ones((ch, 16), jnp.float32)
  zerosh = jnp.zeros((rows, h), jnp.float32)

  deg_call = pl.kernel(
      functools.partial(_deg_body, npad, t_chunks),
      out_type=jax.ShapeDtypeStruct((NC, npad, 16), jnp.float32),
      mesh=_mesh(),
      compiler_params=pltpu.CompilerParams(use_tc_tiling_on_sc=False),
      scratch_types=[
          pltpu.VMEM((t_chunks, ch), jnp.int32),
          pltpu.VMEM((rows, 16), jnp.float32),
          pltpu.VMEM((ch, 16), jnp.float32),
          pltpu.VMEM_SHARED((npad, 16), jnp.float32),
      ],
  )
  degp = deg_call(dst3, zeros16, ones16)

  xp = jnp.pad(x, ((0, npad - n), (0, 0)))
  bm_p = 1024
  prep_call = pl.pallas_call(
      _prep_body,
      grid=(npad // bm_p,),
      in_specs=[
          pl.BlockSpec((bm_p, d), lambda i: (i, 0)),
          pl.BlockSpec((d, h), lambda i: (0, 0)),
          pl.BlockSpec((NC, bm_p, 16), lambda i: (0, i, 0)),
      ],
      out_specs=[
          pl.BlockSpec((bm_p, h), lambda i: (i, 0)),
          pl.BlockSpec((bm_p, 1), lambda i: (i, 0)),
      ],
      out_shape=[
          jax.ShapeDtypeStruct((npad, h), jnp.float32),
          jax.ShapeDtypeStruct((npad, 1), jnp.float32),
      ],
  )
  y, dinv = prep_call(xp, W_enc, degp)

  msg_call = pl.kernel(
      functools.partial(_msg_body, npad, t_chunks, h),
      out_type=jax.ShapeDtypeStruct((NC, npad, h), jnp.float32),
      mesh=_mesh(),
      compiler_params=pltpu.CompilerParams(use_tc_tiling_on_sc=False),
      scratch_types=[
          pltpu.VMEM((t_chunks, ch), jnp.int32),
          pltpu.VMEM((t_chunks, ch), jnp.int32),
          pltpu.VMEM((rows, h), jnp.float32),
          pltpu.VMEM((ch, h), jnp.float32),
          pltpu.VMEM_SHARED((npad, h), jnp.float32),
      ],
  )
  p = msg_call(src3, dst3, y, zerosh)

  bm, bn = 1000, 1024
  dec_call = pl.pallas_call(
      _dec_body,
      grid=(n // bm, pl.cdiv(out_dim, bn)),
      in_specs=[
          pl.BlockSpec((NC, bm, h), lambda i, j: (0, i, 0)),
          pl.BlockSpec((bm, h), lambda i, j: (i, 0)),
          pl.BlockSpec((bm, 1), lambda i, j: (i, 0)),
          pl.BlockSpec((1, h), lambda i, j: (0, 0)),
          pl.BlockSpec((h, bn), lambda i, j: (0, j)),
          pl.BlockSpec((1, bn), lambda i, j: (0, j)),
      ],
      out_specs=pl.BlockSpec((bm, bn), lambda i, j: (i, j)),
      out_shape=jax.ShapeDtypeStruct((n, out_dim), jnp.float32),
      scratch_shapes=[pltpu.VMEM((bm, h), jnp.float32)],
  )
  return dec_call(p, y, dinv, b_enc.reshape(1, h), W_dec,
                  (0.5 * b_dec).reshape(1, out_dim))

# --- scband reference (transcript-rebuilt; emitter-appended) ---
"""Pipeline reference for scband-graph-autoencoder-59528246722864 (READ-ONLY COPY).

The authoritative reference and input builder live on the scoring server;
editing this copy changes nothing except your own understanding.
"""

import jax
import jax.numpy as jnp
import numpy as np

N = 10000
E = 320000
D = 128
H = 64
OUT = 10000


def setup_inputs(seed: int = 0) -> dict:
    key = jax.random.key(seed)
    k1, k2, k3, k4 = jax.random.split(key, 4)
    x = jax.random.normal(k1, (N, D), dtype=jnp.float32)
    edge_index = jax.random.randint(k2, (2, E), 0, N, dtype=jnp.int32)
    W_enc = jax.random.normal(k3, (D, H), dtype=jnp.float32) * (1.0 / np.sqrt(D))
    b_enc = jnp.zeros((H,), dtype=jnp.float32)
    W_dec = jax.random.normal(k4, (H, OUT), dtype=jnp.float32) * (1.0 / np.sqrt(H))
    b_dec = jnp.zeros((OUT,), dtype=jnp.float32)
    return {"x": x, "edge_index": edge_index, "W_enc": W_enc, "b_enc": b_enc, "W_dec": W_dec, "b_dec": b_dec}


def gcn_conv(x, edge_index, W, b):
    n = x.shape[0]
    loop = jnp.arange(n, dtype=edge_index.dtype)
    src = jnp.concatenate([edge_index[0], loop])
    dst = jnp.concatenate([edge_index[1], loop])
    deg = jnp.zeros((n,), dtype=x.dtype).at[dst].add(1.0)
    dinv = jax.lax.rsqrt(jnp.maximum(deg, 1e-12))
    norm = dinv[src] * dinv[dst]
    xw = x @ W
    msgs = xw[src] * norm[:, None]
    out = jax.ops.segment_sum(msgs, dst, num_segments=n)
    return out + b


def reference(x, edge_index, W_enc, b_enc, W_dec, b_dec):
    encoded = gcn_conv(x, edge_index, W_enc, b_enc)
    decoded = jax.nn.sigmoid(encoded @ W_dec + b_dec)
    return decoded

if __name__ == "__main__":
    import jax
    _d = setup_inputs()
    print(jax.jit(kernel)(*tuple(_d.values())))

</pallas_src>

<mosaic_0001>
#map = affine_map<(d0, d1) -> (0, 0, 0)>
#map1 = affine_map<(d0, d1) -> (0, 0)>
module attributes {stable_mosaic.version = 14 : i64} {
  func.func @_msg_body(%arg0: i32, %arg1: i32, %arg2: memref<32x80x125xi32, #tpu.memory_space<hbm>>, %arg3: memref<32x80x125xi32, #tpu.memory_space<hbm>>, %arg4: memref<10240x64xf32, #tpu.memory_space<hbm>>, %arg5: memref<640x64xf32, #tpu.memory_space<hbm>>, %arg6: memref<2x10240x64xf32, #tpu.memory_space<hbm>>, %arg7: memref<80x125xi32, #tpu.memory_space<vmem>>, %arg8: memref<80x125xi32, #tpu.memory_space<vmem>>, %arg9: memref<640x64xf32, #tpu.memory_space<vmem>>, %arg10: memref<125x64xf32, #tpu.memory_space<vmem>>, %arg11: memref<10240x64xf32, #tpu.memory_space<vmem_shared>>) attributes {dimension_semantics = [#tpu.dimension_semantics<core_parallel>, #tpu.dimension_semantics<subcore_parallel>], iteration_bounds = array<i64: 2, 16>, scalar_prefetch = 0 : i64, scratch_operands = 5 : i64, tpu.core_type = #tpu.core_type<sc_vector_subcore>, window_params = [{transform_indices = #map}, {transform_indices = #map}, {transform_indices = #map1}, {transform_indices = #map1}, {transform_indices = #map}]} {
    %mul3A = arith.constant 16 : i32
    %mul3A_0 = arith.muli %arg0, %mul3A : i32
    %add3A = arith.addi %mul3A_0, %arg1 : i32
    "tpu.region"() ({
      %run_scoped3A = tpu.sem_alloc : memref<!tpu.dma_semaphore, #tpu.memory_space<semaphore_mem>>
      %dma_start3A = arith.constant 0 : i32
      %dma_start3A_13 = arith.constant 0 : i32
      %dma_start3A_14 = tpu.memref_slice %arg2[%add3A, %dma_start3A, %dma_start3A_13] : memref<32x80x125xi32, #tpu.memory_space<hbm>> -> memref<1x80x125xi32, #tpu.memory_space<hbm>>
      %dma_start3A_15 = tpu.memref_squeeze %dma_start3A_14 : memref<1x80x125xi32, #tpu.memory_space<hbm>> -> memref<80x125xi32, #tpu.memory_space<hbm>>
      %dma_start3A_16 = arith.constant 0 : i32
      %dma_start3A_17 = arith.constant 0 : i32
      %dma_start3A_18 = tpu.memref_slice %arg2[%add3A, %dma_start3A_16, %dma_start3A_17] : memref<32x80x125xi32, #tpu.memory_space<hbm>> -> memref<1x80x125xi32, #tpu.memory_space<hbm>>
      %dma_start3A_19 = tpu.memref_squeeze %dma_start3A_18 : memref<1x80x125xi32, #tpu.memory_space<hbm>> -> memref<80x125xi32, #tpu.memory_space<hbm>>
      tpu.enqueue_dma source(%dma_start3A_19 : memref<80x125xi32, #tpu.memory_space<hbm>>) target(%arg7 : memref<80x125xi32, #tpu.memory_space<vmem>>) target_semaphore(%run_scoped3A : memref<!tpu.dma_semaphore, #tpu.memory_space<semaphore_mem>>)
      %dma_wait3A = arith.constant 0 : i32
      %dma_wait3A_20 = arith.constant 0 : i32
      %dma_wait3A_21 = tpu.memref_slice %arg2[%add3A, %dma_wait3A, %dma_wait3A_20] : memref<32x80x125xi32, #tpu.memory_space<hbm>> -> memref<1x80x125xi32, #tpu.memory_space<hbm>>
      %dma_wait3A_22 = tpu.memref_squeeze %dma_wait3A_21 : memref<1x80x125xi32, #tpu.memory_space<hbm>> -> memref<80x125xi32, #tpu.memory_space<hbm>>
      %dma_wait3A_23 = arith.constant 0 : i32
      %dma_wait3A_24 = arith.constant 0 : i32
      %dma_wait3A_25 = tpu.memref_slice %arg2[%add3A, %dma_wait3A_23, %dma_wait3A_24] : memref<32x80x125xi32, #tpu.memory_space<hbm>> -> memref<1x80x125xi32, #tpu.memory_space<hbm>>
      %dma_wait3A_26 = tpu.memref_squeeze %dma_wait3A_25 : memref<1x80x125xi32, #tpu.memory_space<hbm>> -> memref<80x125xi32, #tpu.memory_space<hbm>>
      tpu.wait_dma2 semaphore(%run_scoped3A : memref<!tpu.dma_semaphore, #tpu.memory_space<semaphore_mem>>) src(%dma_wait3A_26 : memref<80x125xi32, #tpu.memory_space<hbm>>) dst(%arg7 : memref<80x125xi32, #tpu.memory_space<vmem>>)
      tpu.yield
    }) : () -> ()
    "tpu.region"() ({
      %run_scoped3A = tpu.sem_alloc : memref<!tpu.dma_semaphore, #tpu.memory_space<semaphore_mem>>
      %dma_start3A = arith.constant 0 : i32
      %dma_start3A_13 = arith.constant 0 : i32
      %dma_start3A_14 = tpu.memref_slice %arg3[%add3A, %dma_start3A, %dma_start3A_13] : memref<32x80x125xi32, #tpu.memory_space<hbm>> -> memref<1x80x125xi32, #tpu.memory_space<hbm>>
      %dma_start3A_15 = tpu.memref_squeeze %dma_start3A_14 : memref<1x80x125xi32, #tpu.memory_space<hbm>> -> memref<80x125xi32, #tpu.memory_space<hbm>>
      %dma_start3A_16 = arith.constant 0 : i32
      %dma_start3A_17 = arith.constant 0 : i32
      %dma_start3A_18 = tpu.memref_slice %arg3[%add3A, %dma_start3A_16, %dma_start3A_17] : memref<32x80x125xi32, #tpu.memory_space<hbm>> -> memref<1x80x125xi32, #tpu.memory_space<hbm>>
      %dma_start3A_19 = tpu.memref_squeeze %dma_start3A_18 : memref<1x80x125xi32, #tpu.memory_space<hbm>> -> memref<80x125xi32, #tpu.memory_space<hbm>>
      tpu.enqueue_dma source(%dma_start3A_19 : memref<80x125xi32, #tpu.memory_space<hbm>>) target(%arg8 : memref<80x125xi32, #tpu.memory_space<vmem>>) target_semaphore(%run_scoped3A : memref<!tpu.dma_semaphore, #tpu.memory_space<semaphore_mem>>)
      %dma_wait3A = arith.constant 0 : i32
      %dma_wait3A_20 = arith.constant 0 : i32
      %dma_wait3A_21 = tpu.memref_slice %arg3[%add3A, %dma_wait3A, %dma_wait3A_20] : memref<32x80x125xi32, #tpu.memory_space<hbm>> -> memref<1x80x125xi32, #tpu.memory_space<hbm>>
      %dma_wait3A_22 = tpu.memref_squeeze %dma_wait3A_21 : memref<1x80x125xi32, #tpu.memory_space<hbm>> -> memref<80x125xi32, #tpu.memory_space<hbm>>
      %dma_wait3A_23 = arith.constant 0 : i32
      %dma_wait3A_24 = arith.constant 0 : i32
      %dma_wait3A_25 = tpu.memref_slice %arg3[%add3A, %dma_wait3A_23, %dma_wait3A_24] : memref<32x80x125xi32, #tpu.memory_space<hbm>> -> memref<1x80x125xi32, #tpu.memory_space<hbm>>
      %dma_wait3A_26 = tpu.memref_squeeze %dma_wait3A_25 : memref<1x80x125xi32, #tpu.memory_space<hbm>> -> memref<80x125xi32, #tpu.memory_space<hbm>>
      tpu.wait_dma2 semaphore(%run_scoped3A : memref<!tpu.dma_semaphore, #tpu.memory_space<semaphore_mem>>) src(%dma_wait3A_26 : memref<80x125xi32, #tpu.memory_space<hbm>>) dst(%arg8 : memref<80x125xi32, #tpu.memory_space<vmem>>)
      tpu.yield
    }) : () -> ()
    "tpu.region"() ({
      %run_scoped3A = tpu.sem_alloc : memref<!tpu.dma_semaphore, #tpu.memory_space<semaphore_mem>>
      tpu.enqueue_dma source(%arg5 : memref<640x64xf32, #tpu.memory_space<hbm>>) target(%arg9 : memref<640x64xf32, #tpu.memory_space<vmem>>) target_semaphore(%run_scoped3A : memref<!tpu.dma_semaphore, #tpu.memory_space<semaphore_mem>>)
      tpu.wait_dma2 semaphore(%run_scoped3A : memref<!tpu.dma_semaphore, #tpu.memory_space<semaphore_mem>>) src(%arg5 : memref<640x64xf32, #tpu.memory_space<hbm>>) dst(%arg9 : memref<640x64xf32, #tpu.memory_space<vmem>>)
      tpu.yield
    }) : () -> ()
    %mul3A_1 = arith.constant 640 : i32
    %mul3A_2 = arith.muli %arg1, %mul3A_1 : i32
    "tpu.region"() ({
      %run_scoped3A = tpu.sem_alloc : memref<!tpu.dma_semaphore, #tpu.memory_space<semaphore_mem>>
      %dma_start3A = arith.constant 0 : i32
      %dma_start3A_13 = tpu.memref_slice %arg11[%mul3A_2, %dma_start3A] : memref<10240x64xf32, #tpu.memory_space<vmem_shared>> -> memref<640x64xf32, #tpu.memory_space<vmem_shared>>
      %dma_start3A_14 = arith.constant 0 : i32
      %dma_start3A_15 = tpu.memref_slice %arg11[%mul3A_2, %dma_start3A_14] : memref<10240x64xf32, #tpu.memory_space<vmem_shared>> -> memref<640x64xf32, #tpu.memory_space<vmem_shared>>
      tpu.enqueue_dma source(%arg9 : memref<640x64xf32, #tpu.memory_space<vmem>>) target(%dma_start3A_15 : memref<640x64xf32, #tpu.memory_space<vmem_shared>>) target_semaphore(%run_scoped3A : memref<!tpu.dma_semaphore, #tpu.memory_space<semaphore_mem>>)
      %dma_wait3A = arith.constant 0 : i32
      %dma_wait3A_16 = tpu.memref_slice %arg11[%mul3A_2, %dma_wait3A] : memref<10240x64xf32, #tpu.memory_space<vmem_shared>> -> memref<640x64xf32, #tpu.memory_space<vmem_shared>>
      %dma_wait3A_17 = arith.constant 0 : i32
      %dma_wait3A_18 = tpu.memref_slice %arg11[%mul3A_2, %dma_wait3A_17] : memref<10240x64xf32, #tpu.memory_space<vmem_shared>> -> memref<640x64xf32, #tpu.memory_space<vmem_shared>>
      tpu.wait_dma2 semaphore(%run_scoped3A : memref<!tpu.dma_semaphore, #tpu.memory_space<semaphore_mem>>) src(%arg9 : memref<640x64xf32, #tpu.memory_space<vmem>>) dst(%dma_wait3A_18 : memref<640x64xf32, #tpu.memory_space<vmem_shared>>)
      tpu.yield
    }) : () -> ()
    %barrier3A = arith.constant 0 : index
    tpu.barrier barrier_id(%barrier3A)
    %scan3A = arith.constant 0 : i32
    %scan3A_3 = arith.constant 0 : i32
    %scan3A_4 = arith.constant 80 : i32
    %scan3A_5 = arith.addi %scan3A_3, %scan3A_4 : i32
    %scan3A_6 = arith.constant 1 : i32
    scf.for %scan3A_13 = %scan3A_3 to %scan3A_5 step %scan3A_6  : i32 {
      "tpu.region"() ({
        %run_scoped3A = tpu.sem_alloc : memref<!tpu.dma_semaphore, #tpu.memory_space<semaphore_mem>>
        %dma_start3A = arith.constant 0 : i32
        %dma_start3A_14 = tpu.memref_slice %arg7[%scan3A_13, %dma_start3A] : memref<80x125xi32, #tpu.memory_space<vmem>> -> memref<1x125xi32, #tpu.memory_space<vmem>>
        %dma_start3A_15 = tpu.memref_squeeze %dma_start3A_14 : memref<1x125xi32, #tpu.memory_space<vmem>> -> memref<125xi32, #tpu.memory_space<vmem>>
        %dma_start3A_16 = arith.constant 0 : i32
        %dma_start3A_17 = arith.constant 0 : i32
        %dma_start3A_18 = tpu.memref_slice %arg4[%dma_start3A_16, %dma_start3A_17] : memref<10240x64xf32, #tpu.memory_space<hbm>> -> memref<10240x64xf32, #tpu.memory_space<hbm>>
        tpu.enqueue_indirect_dma source(%dma_start3A_18 : memref<10240x64xf32, #tpu.memory_space<hbm>>) target(%arg10 : memref<125x64xf32, #tpu.memory_space<vmem>>) offsets(%dma_start3A_15 : memref<125xi32, #tpu.memory_space<vmem>>) semaphore(%run_scoped3A : memref<!tpu.dma_semaphore, #tpu.memory_space<semaphore_mem>>)
        %dma_wait3A = arith.constant 0 : i32
        %dma_wait3A_19 = tpu.memref_slice %arg7[%scan3A_13, %dma_wait3A] : memref<80x125xi32, #tpu.memory_space<vmem>> -> memref<1x125xi32, #tpu.memory_space<vmem>>
        %dma_wait3A_20 = tpu.memref_squeeze %dma_wait3A_19 : memref<1x125xi32, #tpu.memory_space<vmem>> -> memref<125xi32, #tpu.memory_space<vmem>>
        %dma_wait3A_21 = arith.constant 0 : i32
        %dma_wait3A_22 = arith.constant 0 : i32
        %dma_wait3A_23 = tpu.memref_slice %arg4[%dma_wait3A_21, %dma_wait3A_22] : memref<10240x64xf32, #tpu.memory_space<hbm>> -> memref<10240x64xf32, #tpu.memory_space<hbm>>
        tpu.wait_indirect_dma semaphore(%run_scoped3A : memref<!tpu.dma_semaphore, #tpu.memory_space<semaphore_mem>>) src(%dma_wait3A_23 : memref<10240x64xf32, #tpu.memory_space<hbm>>) dst(%arg10 : memref<125x64xf32, #tpu.memory_space<vmem>>)
        tpu.yield
      }) : () -> ()
      "tpu.region"() ({
        %run_scoped3A = tpu.sem_alloc : memref<!tpu.dma_semaphore, #tpu.memory_space<semaphore_mem>>
        %dma_start3A = arith.constant 0 : i32
        %dma_start3A_14 = tpu.memref_slice %arg8[%scan3A_13, %dma_start3A] : memref<80x125xi32, #tpu.memory_space<vmem>> -> memref<1x125xi32, #tpu.memory_space<vmem>>
        %dma_start3A_15 = tpu.memref_squeeze %dma_start3A_14 : memref<1x125xi32, #tpu.memory_space<vmem>> -> memref<125xi32, #tpu.memory_space<vmem>>
        %dma_start3A_16 = arith.constant 0 : i32
        %dma_start3A_17 = arith.constant 0 : i32
        %dma_start3A_18 = tpu.memref_slice %arg11[%dma_start3A_16, %dma_start3A_17] : memref<10240x64xf32, #tpu.memory_space<vmem_shared>> -> memref<10240x64xf32, #tpu.memory_space<vmem_shared>>
        tpu.enqueue_indirect_dma source(%arg10 : memref<125x64xf32, #tpu.memory_space<vmem>>) target(%dma_start3A_18 : memref<10240x64xf32, #tpu.memory_space<vmem_shared>>) offsets(%dma_start3A_15 : memref<125xi32, #tpu.memory_space<vmem>>) semaphore(%run_scoped3A : memref<!tpu.dma_semaphore, #tpu.memory_space<semaphore_mem>>) {add = true}
        %dma_wait3A = arith.constant 0 : i32
        %dma_wait3A_19 = tpu.memref_slice %arg8[%scan3A_13, %dma_wait3A] : memref<80x125xi32, #tpu.memory_space<vmem>> -> memref<1x125xi32, #tpu.memory_space<vmem>>
        %dma_wait3A_20 = tpu.memref_squeeze %dma_wait3A_19 : memref<1x125xi32, #tpu.memory_space<vmem>> -> memref<125xi32, #tpu.memory_space<vmem>>
        %dma_wait3A_21 = arith.constant 0 : i32
        %dma_wait3A_22 = arith.constant 0 : i32
        %dma_wait3A_23 = tpu.memref_slice %arg11[%dma_wait3A_21, %dma_wait3A_22] : memref<10240x64xf32, #tpu.memory_space<vmem_shared>> -> memref<10240x64xf32, #tpu.memory_space<vmem_shared>>
        tpu.wait_indirect_dma semaphore(%run_scoped3A : memref<!tpu.dma_semaphore, #tpu.memory_space<semaphore_mem>>) src(%arg10 : memref<125x64xf32, #tpu.memory_space<vmem>>) dst(%dma_wait3A_23 : memref<10240x64xf32, #tpu.memory_space<vmem_shared>>)
        tpu.yield
      }) : () -> ()
    }
    %scan3A_7 = arith.constant 80 : i32
    %barrier3A_8 = arith.constant 0 : index
    tpu.barrier barrier_id(%barrier3A_8)
    %mul3A_9 = arith.constant 640 : i32
    %mul3A_10 = arith.muli %arg1, %mul3A_9 : i32
    %mul3A_11 = arith.constant 640 : i32
    %mul3A_12 = arith.muli %arg1, %mul3A_11 : i32
    "tpu.region"() ({
      %run_scoped3A = tpu.sem_alloc : memref<!tpu.dma_semaphore, #tpu.memory_space<semaphore_mem>>
      %dma_start3A = arith.constant 0 : i32
      %dma_start3A_13 = tpu.memref_slice %arg6[%arg0, %mul3A_12, %dma_start3A] : memref<2x10240x64xf32, #tpu.memory_space<hbm>> -> memref<1x640x64xf32, #tpu.memory_space<hbm>>
      %dma_start3A_14 = tpu.memref_squeeze %dma_start3A_13 : memref<1x640x64xf32, #tpu.memory_space<hbm>> -> memref<640x64xf32, #tpu.memory_space<hbm>>
      %dma_start3A_15 = arith.constant 0 : i32
      %dma_start3A_16 = tpu.memref_slice %arg11[%mul3A_10, %dma_start3A_15] : memref<10240x64xf32, #tpu.memory_space<vmem_shared>> -> memref<640x64xf32, #tpu.memory_space<vmem_shared>>
      tpu.enqueue_dma source(%dma_start3A_16 : memref<640x64xf32, #tpu.memory_space<vmem_shared>>) target(%dma_start3A_14 : memref<640x64xf32, #tpu.memory_space<hbm>>) target_semaphore(%run_scoped3A : memref<!tpu.dma_semaphore, #tpu.memory_space<semaphore_mem>>)
      %dma_wait3A = arith.constant 0 : i32
      %dma_wait3A_17 = tpu.memref_slice %arg6[%arg0, %mul3A_12, %dma_wait3A] : memref<2x10240x64xf32, #tpu.memory_space<hbm>> -> memref<1x640x64xf32, #tpu.memory_space<hbm>>
      %dma_wait3A_18 = tpu.memref_squeeze %dma_wait3A_17 : memref<1x640x64xf32, #tpu.memory_space<hbm>> -> memref<640x64xf32, #tpu.memory_space<hbm>>
      %dma_wait3A_19 = arith.constant 0 : i32
      %dma_wait3A_20 = tpu.memref_slice %arg11[%mul3A_10, %dma_wait3A_19] : memref<10240x64xf32, #tpu.memory_space<vmem_shared>> -> memref<640x64xf32, #tpu.memory_space<vmem_shared>>
      tpu.wait_dma2 semaphore(%run_scoped3A : memref<!tpu.dma_semaphore, #tpu.memory_space<semaphore_mem>>) src(%dma_wait3A_20 : memref<640x64xf32, #tpu.memory_space<vmem_shared>>) dst(%dma_wait3A_18 : memref<640x64xf32, #tpu.memory_space<hbm>>)
      tpu.yield
    }) : () -> ()
    return
  }
}

#map = affine_map<(d0, d1) -> (0, 0, 0)>
#map1 = affine_map<(d0, d1) -> (0, 0)>
module attributes {stable_mosaic.version = 14 : i64} {
  func.func @_deg_body(%arg0: i32, %arg1: i32, %arg2: memref<32x80x125xi32, #tpu.memory_space<hbm>>, %arg3: memref<640x16xf32, #tpu.memory_space<hbm>>, %arg4: memref<125x16xf32, #tpu.memory_space<hbm>>, %arg5: memref<2x10240x16xf32, #tpu.memory_space<hbm>>, %arg6: memref<80x125xi32, #tpu.memory_space<vmem>>, %arg7: memref<640x16xf32, #tpu.memory_space<vmem>>, %arg8: memref<125x16xf32, #tpu.memory_space<vmem>>, %arg9: memref<10240x16xf32, #tpu.memory_space<vmem_shared>>) attributes {dimension_semantics = [#tpu.dimension_semantics<core_parallel>, #tpu.dimension_semantics<subcore_parallel>], iteration_bounds = array<i64: 2, 16>, scalar_prefetch = 0 : i64, scratch_operands = 4 : i64, tpu.core_type = #tpu.core_type<sc_vector_subcore>, window_params = [{transform_indices = #map}, {transform_indices = #map1}, {transform_indices = #map1}, {transform_indices = #map}]} {
    %mul3A = arith.constant 16 : i32
    %mul3A_0 = arith.muli %arg0, %mul3A : i32
    %add3A = arith.addi %mul3A_0, %arg1 : i32
    "tpu.region"() ({
      %run_scoped3A = tpu.sem_alloc : memref<!tpu.dma_semaphore, #tpu.memory_space<semaphore_mem>>
      %dma_start3A = arith.constant 0 : i32
      %dma_start3A_13 = arith.constant 0 : i32
      %dma_start3A_14 = tpu.memref_slice %arg2[%add3A, %dma_start3A, %dma_start3A_13] : memref<32x80x125xi32, #tpu.memory_space<hbm>> -> memref<1x80x125xi32, #tpu.memory_space<hbm>>
      %dma_start3A_15 = tpu.memref_squeeze %dma_start3A_14 : memref<1x80x125xi32, #tpu.memory_space<hbm>> -> memref<80x125xi32, #tpu.memory_space<hbm>>
      %dma_start3A_16 = arith.constant 0 : i32
      %dma_start3A_17 = arith.constant 0 : i32
      %dma_start3A_18 = tpu.memref_slice %arg2[%add3A, %dma_start3A_16, %dma_start3A_17] : memref<32x80x125xi32, #tpu.memory_space<hbm>> -> memref<1x80x125xi32, #tpu.memory_space<hbm>>
      %dma_start3A_19 = tpu.memref_squeeze %dma_start3A_18 : memref<1x80x125xi32, #tpu.memory_space<hbm>> -> memref<80x125xi32, #tpu.memory_space<hbm>>
      tpu.enqueue_dma source(%dma_start3A_19 : memref<80x125xi32, #tpu.memory_space<hbm>>) target(%arg6 : memref<80x125xi32, #tpu.memory_space<vmem>>) target_semaphore(%run_scoped3A : memref<!tpu.dma_semaphore, #tpu.memory_space<semaphore_mem>>)
      %dma_wait3A = arith.constant 0 : i32
      %dma_wait3A_20 = arith.constant 0 : i32
      %dma_wait3A_21 = tpu.memref_slice %arg2[%add3A, %dma_wait3A, %dma_wait3A_20] : memref<32x80x125xi32, #tpu.memory_space<hbm>> -> memref<1x80x125xi32, #tpu.memory_space<hbm>>
      %dma_wait3A_22 = tpu.memref_squeeze %dma_wait3A_21 : memref<1x80x125xi32, #tpu.memory_space<hbm>> -> memref<80x125xi32, #tpu.memory_space<hbm>>
      %dma_wait3A_23 = arith.constant 0 : i32
      %dma_wait3A_24 = arith.constant 0 : i32
      %dma_wait3A_25 = tpu.memref_slice %arg2[%add3A, %dma_wait3A_23, %dma_wait3A_24] : memref<32x80x125xi32, #tpu.memory_space<hbm>> -> memref<1x80x125xi32, #tpu.memory_space<hbm>>
      %dma_wait3A_26 = tpu.memref_squeeze %dma_wait3A_25 : memref<1x80x125xi32, #tpu.memory_space<hbm>> -> memref<80x125xi32, #tpu.memory_space<hbm>>
      tpu.wait_dma2 semaphore(%run_scoped3A : memref<!tpu.dma_semaphore, #tpu.memory_space<semaphore_mem>>) src(%dma_wait3A_26 : memref<80x125xi32, #tpu.memory_space<hbm>>) dst(%arg6 : memref<80x125xi32, #tpu.memory_space<vmem>>)
      tpu.yield
    }) : () -> ()
    "tpu.region"() ({
      %run_scoped3A = tpu.sem_alloc : memref<!tpu.dma_semaphore, #tpu.memory_space<semaphore_mem>>
      tpu.enqueue_dma source(%arg3 : memref<640x16xf32, #tpu.memory_space<hbm>>) target(%arg7 : memref<640x16xf32, #tpu.memory_space<vmem>>) target_semaphore(%run_scoped3A : memref<!tpu.dma_semaphore, #tpu.memory_space<semaphore_mem>>)
      tpu.wait_dma2 semaphore(%run_scoped3A : memref<!tpu.dma_semaphore, #tpu.memory_space<semaphore_mem>>) src(%arg3 : memref<640x16xf32, #tpu.memory_space<hbm>>) dst(%arg7 : memref<640x16xf32, #tpu.memory_space<vmem>>)
      tpu.yield
    }) : () -> ()
    %mul3A_1 = arith.constant 640 : i32
    %mul3A_2 = arith.muli %arg1, %mul3A_1 : i32
    "tpu.region"() ({
      %run_scoped3A = tpu.sem_alloc : memref<!tpu.dma_semaphore, #tpu.memory_space<semaphore_mem>>
      %dma_start3A = arith.constant 0 : i32
      %dma_start3A_13 = tpu.memref_slice %arg9[%mul3A_2, %dma_start3A] : memref<10240x16xf32, #tpu.memory_space<vmem_shared>> -> memref<640x16xf32, #tpu.memory_space<vmem_shared>>
      %dma_start3A_14 = arith.constant 0 : i32
      %dma_start3A_15 = tpu.memref_slice %arg9[%mul3A_2, %dma_start3A_14] : memref<10240x16xf32, #tpu.memory_space<vmem_shared>> -> memref<640x16xf32, #tpu.memory_space<vmem_shared>>
      tpu.enqueue_dma source(%arg7 : memref<640x16xf32, #tpu.memory_space<vmem>>) target(%dma_start3A_15 : memref<640x16xf32, #tpu.memory_space<vmem_shared>>) target_semaphore(%run_scoped3A : memref<!tpu.dma_semaphore, #tpu.memory_space<semaphore_mem>>)
      %dma_wait3A = arith.constant 0 : i32
      %dma_wait3A_16 = tpu.memref_slice %arg9[%mul3A_2, %dma_wait3A] : memref<10240x16xf32, #tpu.memory_space<vmem_shared>> -> memref<640x16xf32, #tpu.memory_space<vmem_shared>>
      %dma_wait3A_17 = arith.constant 0 : i32
      %dma_wait3A_18 = tpu.memref_slice %arg9[%mul3A_2, %dma_wait3A_17] : memref<10240x16xf32, #tpu.memory_space<vmem_shared>> -> memref<640x16xf32, #tpu.memory_space<vmem_shared>>
      tpu.wait_dma2 semaphore(%run_scoped3A : memref<!tpu.dma_semaphore, #tpu.memory_space<semaphore_mem>>) src(%arg7 : memref<640x16xf32, #tpu.memory_space<vmem>>) dst(%dma_wait3A_18 : memref<640x16xf32, #tpu.memory_space<vmem_shared>>)
      tpu.yield
    }) : () -> ()
    "tpu.region"() ({
      %run_scoped3A = tpu.sem_alloc : memref<!tpu.dma_semaphore, #tpu.memory_space<semaphore_mem>>
      tpu.enqueue_dma source(%arg4 : memref<125x16xf32, #tpu.memory_space<hbm>>) target(%arg8 : memref<125x16xf32, #tpu.memory_space<vmem>>) target_semaphore(%run_scoped3A : memref<!tpu.dma_semaphore, #tpu.memory_space<semaphore_mem>>)
      tpu.wait_dma2 semaphore(%run_scoped3A : memref<!tpu.dma_semaphore, #tpu.memory_space<semaphore_mem>>) src(%arg4 : memref<125x16xf32, #tpu.memory_space<hbm>>) dst(%arg8 : memref<125x16xf32, #tpu.memory_space<vmem>>)
      tpu.yield
    }) : () -> ()
    %barrier3A = arith.constant 0 : index
    tpu.barrier barrier_id(%barrier3A)
    %scan3A = arith.constant 0 : i32
    %scan3A_3 = arith.constant 0 : i32
    %scan3A_4 = arith.constant 80 : i32
    %scan3A_5 = arith.addi %scan3A_3, %scan3A_4 : i32
    %scan3A_6 = arith.constant 1 : i32
    scf.for %scan3A_13 = %scan3A_3 to %scan3A_5 step %scan3A_6  : i32 {
      "tpu.region"() ({
        %run_scoped3A = tpu.sem_alloc : memref<!tpu.dma_semaphore, #tpu.memory_space<semaphore_mem>>
        %dma_start3A = arith.constant 0 : i32
        %dma_start3A_14 = tpu.memref_slice %arg6[%scan3A_13, %dma_start3A] : memref<80x125xi32, #tpu.memory_space<vmem>> -> memref<1x125xi32, #tpu.memory_space<vmem>>
        %dma_start3A_15 = tpu.memref_squeeze %dma_start3A_14 : memref<1x125xi32, #tpu.memory_space<vmem>> -> memref<125xi32, #tpu.memory_space<vmem>>
        %dma_start3A_16 = arith.constant 0 : i32
        %dma_start3A_17 = arith.constant 0 : i32
        %dma_start3A_18 = tpu.memref_slice %arg9[%dma_start3A_16, %dma_start3A_17] : memref<10240x16xf32, #tpu.memory_space<vmem_shared>> -> memref<10240x16xf32, #tpu.memory_space<vmem_shared>>
        tpu.enqueue_indirect_dma source(%arg8 : memref<125x16xf32, #tpu.memory_space<vmem>>) target(%dma_start3A_18 : memref<10240x16xf32, #tpu.memory_space<vmem_shared>>) offsets(%dma_start3A_15 : memref<125xi32, #tpu.memory_space<vmem>>) semaphore(%run_scoped3A : memref<!tpu.dma_semaphore, #tpu.memory_space<semaphore_mem>>) {add = true}
        %dma_wait3A = arith.constant 0 : i32
        %dma_wait3A_19 = tpu.memref_slice %arg6[%scan3A_13, %dma_wait3A] : memref<80x125xi32, #tpu.memory_space<vmem>> -> memref<1x125xi32, #tpu.memory_space<vmem>>
        %dma_wait3A_20 = tpu.memref_squeeze %dma_wait3A_19 : memref<1x125xi32, #tpu.memory_space<vmem>> -> memref<125xi32, #tpu.memory_space<vmem>>
        %dma_wait3A_21 = arith.constant 0 : i32
        %dma_wait3A_22 = arith.constant 0 : i32
        %dma_wait3A_23 = tpu.memref_slice %arg9[%dma_wait3A_21, %dma_wait3A_22] : memref<10240x16xf32, #tpu.memory_space<vmem_shared>> -> memref<10240x16xf32, #tpu.memory_space<vmem_shared>>
        tpu.wait_indirect_dma semaphore(%run_scoped3A : memref<!tpu.dma_semaphore, #tpu.memory_space<semaphore_mem>>) src(%arg8 : memref<125x16xf32, #tpu.memory_space<vmem>>) dst(%dma_wait3A_23 : memref<10240x16xf32, #tpu.memory_space<vmem_shared>>)
        tpu.yield
      }) : () -> ()
    }
    %scan3A_7 = arith.constant 80 : i32
    %barrier3A_8 = arith.constant 0 : index
    tpu.barrier barrier_id(%barrier3A_8)
    %mul3A_9 = arith.constant 640 : i32
    %mul3A_10 = arith.muli %arg1, %mul3A_9 : i32
    %mul3A_11 = arith.constant 640 : i32
    %mul3A_12 = arith.muli %arg1, %mul3A_11 : i32
    "tpu.region"() ({
      %run_scoped3A = tpu.sem_alloc : memref<!tpu.dma_semaphore, #tpu.memory_space<semaphore_mem>>
      %dma_start3A = arith.constant 0 : i32
      %dma_start3A_13 = tpu.memref_slice %arg5[%arg0, %mul3A_12, %dma_start3A] : memref<2x10240x16xf32, #tpu.memory_space<hbm>> -> memref<1x640x16xf32, #tpu.memory_space<hbm>>
      %dma_start3A_14 = tpu.memref_squeeze %dma_start3A_13 : memref<1x640x16xf32, #tpu.memory_space<hbm>> -> memref<640x16xf32, #tpu.memory_space<hbm>>
      %dma_start3A_15 = arith.constant 0 : i32
      %dma_start3A_16 = tpu.memref_slice %arg9[%mul3A_10, %dma_start3A_15] : memref<10240x16xf32, #tpu.memory_space<vmem_shared>> -> memref<640x16xf32, #tpu.memory_space<vmem_shared>>
      tpu.enqueue_dma source(%dma_start3A_16 : memref<640x16xf32, #tpu.memory_space<vmem_shared>>) target(%dma_start3A_14 : memref<640x16xf32, #tpu.memory_space<hbm>>) target_semaphore(%run_scoped3A : memref<!tpu.dma_semaphore, #tpu.memory_space<semaphore_mem>>)
      %dma_wait3A = arith.constant 0 : i32
      %dma_wait3A_17 = tpu.memref_slice %arg5[%arg0, %mul3A_12, %dma_wait3A] : memref<2x10240x16xf32, #tpu.memory_space<hbm>> -> memref<1x640x16xf32, #tpu.memory_space<hbm>>
      %dma_wait3A_18 = tpu.memref_squeeze %dma_wait3A_17 : memref<1x640x16xf32, #tpu.memory_space<hbm>> -> memref<640x16xf32, #tpu.memory_space<hbm>>
      %dma_wait3A_19 = arith.constant 0 : i32
      %dma_wait3A_20 = tpu.memref_slice %arg9[%mul3A_10, %dma_wait3A_19] : memref<10240x16xf32, #tpu.memory_space<vmem_shared>> -> memref<640x16xf32, #tpu.memory_space<vmem_shared>>
      tpu.wait_dma2 semaphore(%run_scoped3A : memref<!tpu.dma_semaphore, #tpu.memory_space<semaphore_mem>>) src(%dma_wait3A_20 : memref<640x16xf32, #tpu.memory_space<vmem_shared>>) dst(%dma_wait3A_18 : memref<640x16xf32, #tpu.memory_space<hbm>>)
      tpu.yield
    }) : () -> ()
    return
  }
}

module attributes {stable_mosaic.version = 14 : i64} {
  func.func @_prep_body(%arg0: i32, %arg1: memref<1024x128xf32, #tpu.memory_space<vmem>>, %arg2: memref<128x64xf32, #tpu.memory_space<vmem>>, %arg3: memref<2x1024x16xf32, #tpu.memory_space<vmem>>, %arg4: memref<1024x64xf32, #tpu.memory_space<vmem>>, %arg5: memref<1024x1xf32, #tpu.memory_space<vmem>>) attributes {dimension_semantics = [#tpu.dimension_semantics<arbitrary>], iteration_bounds = array<i64: 10>, scalar_prefetch = 0 : i64, scratch_operands = 0 : i64, tpu.core_type = #tpu.core_type<tc>, window_params = [{transform_indices = @transform_0, window_bounds = array<i64: 1024, 128>}, {pipeline_mode = #tpu.pipeline_mode<synchronous>, transform_indices = @transform_1, window_bounds = array<i64: 128, 64>}, {transform_indices = @transform_2, window_bounds = array<i64: 2, 1024, 16>}, {transform_indices = @transform_3, window_bounds = array<i64: 1024, 64>}, {transform_indices = @transform_4, window_bounds = array<i64: 1024, 1>}]} {
    %get3A = arith.constant 0 : index
    %get3A_0 = arith.constant 0 : index
    %get3A_1 = arith.constant 0 : index
    %get3A_2 = vector.load %arg3[%get3A, %get3A_0, %get3A_1] : memref<2x1024x16xf32, #tpu.memory_space<vmem>>, vector<1x1024x16xf32>
    %get3A_3 = vector.shape_cast %get3A_2 : vector<1x1024x16xf32> to vector<1024x16xf32>
    %get3A_4 = arith.constant 1 : index
    %get3A_5 = arith.constant 0 : index
    %get3A_6 = arith.constant 0 : index
    %get3A_7 = vector.load %arg3[%get3A_4, %get3A_5, %get3A_6] : memref<2x1024x16xf32, #tpu.memory_space<vmem>>, vector<1x1024x16xf32>
    %get3A_8 = vector.shape_cast %get3A_7 : vector<1x1024x16xf32> to vector<1024x16xf32>
    %add3A = arith.addf %get3A_3, %get3A_8 : vector<1024x16xf32>
    %add3A_9 = arith.constant 1.000000e+00 : f32
    %add3A_10 = vector.broadcast %add3A_9 : f32 to vector<1024x16xf32>
    %add3A_11 = arith.addf %add3A, %add3A_10 : vector<1024x16xf32>
    %slice3A = vector.extract_strided_slice %add3A_11 {offsets = [0, 0], sizes = [1024, 1], strides = [1, 1]} : vector<1024x16xf32> to vector<1024x1xf32>
    %max3A = arith.constant 9.99999996E-13 : f32
    %max3A_12 = vector.broadcast %max3A : f32 to vector<1024x1xf32>
    %max3A_13 = arith.maximumf %slice3A, %max3A_12 : vector<1024x1xf32>
    %rsqrt3A = math.rsqrt %max3A_13 : vector<1024x1xf32>
    %get3A_14 = arith.constant 0 : index
    %get3A_15 = arith.constant 0 : index
    %get3A_16 = vector.load %arg1[%get3A_14, %get3A_15] : memref<1024x128xf32, #tpu.memory_space<vmem>>, vector<1024x128xf32>
    %get3A_17 = arith.constant 0 : index
    %get3A_18 = arith.constant 0 : index
    %get3A_19 = vector.load %arg2[%get3A_17, %get3A_18] : memref<128x64xf32, #tpu.memory_space<vmem>>, vector<128x64xf32>
    %dot_general3A = arith.constant dense<0.000000e+00> : vector<1024x64xf32>
    %dot_general3A_20 = tpu.matmul %get3A_16, %get3A_19, %dot_general3A {dimension_numbers = #tpu.dot_dimension_numbers<[1], [0], [0], [1], [0, 0, 1, 1], [], []>, transpose_lhs_hint = false} : vector<1024x128xf32>, vector<128x64xf32>, vector<1024x64xf32> -> vector<1024x64xf32>
    %mul3A = vector.broadcast %rsqrt3A : vector<1024x1xf32> to vector<1024x64xf32>
    %mul3A_21 = arith.mulf %dot_general3A_20, %mul3A : vector<1024x64xf32>
    %swap3A = arith.constant 0 : index
    %swap3A_22 = arith.constant 0 : index
    %swap3A_23 = vector.load %arg4[%swap3A, %swap3A_22] : memref<1024x64xf32, #tpu.memory_space<vmem>>, vector<1024x64xf32>
    tpu.vector_store %arg4[%swap3A, %swap3A_22], %mul3A_21 {strides = array<i32>} : memref<1024x64xf32, #tpu.memory_space<vmem>>, vector<1024x64xf32>,
    %swap3A_24 = arith.constant 0 : index
    %swap3A_25 = arith.constant 0 : index
    %swap3A_26 = vector.load %arg5[%swap3A_24, %swap3A_25] : memref<1024x1xf32, #tpu.memory_space<vmem>>, vector<1024x1xf32>
    tpu.vector_store %arg5[%swap3A_24, %swap3A_25], %rsqrt3A {strides = array<i32>} : memref<1024x1xf32, #tpu.memory_space<vmem>>, vector<1024x1xf32>,
    return
  }
  func.func @transform_0(%arg0: i32) -> (i32, i32) {
    %c0_i32 = arith.constant 0 : i32
    %c0_i32_0 = arith.constant 0 : i32
    return %arg0, %c0_i32 : i32, i32
  }
  func.func @transform_1(%arg0: i32) -> (i32, i32) {
    %c0_i32 = arith.constant 0 : i32
    %c0_i32_0 = arith.constant 0 : i32
    %c0_i32_1 = arith.constant 0 : i32
    return %c0_i32, %c0_i32_0 : i32, i32
  }
  func.func @transform_2(%arg0: i32) -> (i32, i32, i32) {
    %c0_i32 = arith.constant 0 : i32
    %c0_i32_0 = arith.constant 0 : i32
    %c0_i32_1 = arith.constant 0 : i32
    return %c0_i32, %arg0, %c0_i32_0 : i32, i32, i32
  }
  func.func @transform_3(%arg0: i32) -> (i32, i32) {
    %c0_i32 = arith.constant 0 : i32
    %c0_i32_0 = arith.constant 0 : i32
    return %arg0, %c0_i32 : i32, i32
  }
  func.func @transform_4(%arg0: i32) -> (i32, i32) {
    %c0_i32 = arith.constant 0 : i32
    %c0_i32_0 = arith.constant 0 : i32
    return %arg0, %c0_i32 : i32, i32
  }
}

module attributes {stable_mosaic.version = 14 : i64} {
  func.func @_dec_body(%arg0: i32, %arg1: i32, %arg2: memref<2x1000x64xf32, #tpu.memory_space<vmem>>, %arg3: memref<1000x64xf32, #tpu.memory_space<vmem>>, %arg4: memref<1000x1xf32, #tpu.memory_space<vmem>>, %arg5: memref<1x64xf32, #tpu.memory_space<vmem>>, %arg6: memref<64x1024xf32, #tpu.memory_space<vmem>>, %arg7: memref<1x1024xf32, #tpu.memory_space<vmem>>, %arg8: memref<1000x1024xf32, #tpu.memory_space<vmem>>, %arg9: memref<1000x64xf32, #tpu.memory_space<vmem>>) attributes {dimension_semantics = [#tpu.dimension_semantics<arbitrary>, #tpu.dimension_semantics<arbitrary>], iteration_bounds = array<i64: 10, 10>, scalar_prefetch = 0 : i64, scratch_operands = 1 : i64, tpu.core_type = #tpu.core_type<tc>, window_params = [{transform_indices = @transform_0, window_bounds = array<i64: 2, 1000, 64>}, {transform_indices = @transform_1, window_bounds = array<i64: 1000, 64>}, {transform_indices = @transform_2, window_bounds = array<i64: 1000, 1>}, {pipeline_mode = #tpu.pipeline_mode<synchronous>, transform_indices = @transform_3, window_bounds = array<i64: 1, 64>}, {transform_indices = @transform_4, window_bounds = array<i64: 64, 1024>}, {transform_indices = @transform_5, window_bounds = array<i64: 1, 1024>}, {transform_indices = @transform_6, window_bounds = array<i64: 1000, 1024>}]} {
    %eq3A = arith.constant 0 : i32
    %eq3A_0 = arith.cmpi eq, %arg1, %eq3A : i32
    %convert_element_type3A = arith.extui %eq3A_0 : i1 to i32
    %cond3A = arith.constant 0 : i32
    %cond3A_1 = arith.cmpi ne, %convert_element_type3A, %cond3A : i32
    scf.if %cond3A_1 {
      %get3A_19 = arith.constant 0 : index
      %get3A_20 = arith.constant 0 : index
      %get3A_21 = arith.constant 0 : index
      %get3A_22 = vector.load %arg2[%get3A_19, %get3A_20, %get3A_21] : memref<2x1000x64xf32, #tpu.memory_space<vmem>>, vector<1x1000x64xf32>
      %get3A_23 = vector.shape_cast %get3A_22 : vector<1x1000x64xf32> to vector<1000x64xf32>
      %get3A_24 = arith.constant 1 : index
      %get3A_25 = arith.constant 0 : index
      %get3A_26 = arith.constant 0 : index
      %get3A_27 = vector.load %arg2[%get3A_24, %get3A_25, %get3A_26] : memref<2x1000x64xf32, #tpu.memory_space<vmem>>, vector<1x1000x64xf32>
      %get3A_28 = vector.shape_cast %get3A_27 : vector<1x1000x64xf32> to vector<1000x64xf32>
      %add3A_29 = arith.addf %get3A_23, %get3A_28 : vector<1000x64xf32>
      %get3A_30 = arith.constant 0 : index
      %get3A_31 = arith.constant 0 : index
      %get3A_32 = vector.load %arg3[%get3A_30, %get3A_31] : memref<1000x64xf32, #tpu.memory_space<vmem>>, vector<1000x64xf32>
      %add3A_33 = arith.addf %add3A_29, %get3A_32 : vector<1000x64xf32>
      %get3A_34 = arith.constant 0 : index
      %get3A_35 = arith.constant 0 : index
      %get3A_36 = vector.load %arg4[%get3A_34, %get3A_35] : memref<1000x1xf32, #tpu.memory_space<vmem>>, vector<1000x1xf32>
      %mul3A_37 = vector.broadcast %get3A_36 : vector<1000x1xf32> to vector<1000x64xf32>
      %mul3A_38 = arith.mulf %add3A_33, %mul3A_37 : vector<1000x64xf32>
      %get3A_39 = arith.constant 0 : index
      %get3A_40 = arith.constant 0 : index
      %get3A_41 = vector.load %arg5[%get3A_39, %get3A_40] : memref<1x64xf32, #tpu.memory_space<vmem>>, vector<1x64xf32>
      %add3A_42 = vector.broadcast %get3A_41 : vector<1x64xf32> to vector<1000x64xf32>
      %add3A_43 = arith.addf %mul3A_38, %add3A_42 : vector<1000x64xf32>
      %mul3A_44 = arith.constant 5.000000e-01 : f32
      %mul3A_45 = vector.broadcast %mul3A_44 : f32 to vector<1000x64xf32>
      %mul3A_46 = arith.mulf %add3A_43, %mul3A_45 : vector<1000x64xf32>
      %swap3A_47 = arith.constant 0 : index
      %swap3A_48 = arith.constant 0 : index
      %swap3A_49 = vector.load %arg9[%swap3A_47, %swap3A_48] : memref<1000x64xf32, #tpu.memory_space<vmem>>, vector<1000x64xf32>
      tpu.vector_store %arg9[%swap3A_47, %swap3A_48], %mul3A_46 {strides = array<i32>} : memref<1000x64xf32, #tpu.memory_space<vmem>>, vector<1000x64xf32>,
    } else {
    }
    %get3A = arith.constant 0 : index
    %get3A_2 = arith.constant 0 : index
    %get3A_3 = vector.load %arg9[%get3A, %get3A_2] : memref<1000x64xf32, #tpu.memory_space<vmem>>, vector<1000x64xf32>
    %get3A_4 = arith.constant 0 : index
    %get3A_5 = arith.constant 0 : index
    %get3A_6 = vector.load %arg6[%get3A_4, %get3A_5] : memref<64x1024xf32, #tpu.memory_space<vmem>>, vector<64x1024xf32>
    %dot_general3A = arith.constant dense<0.000000e+00> : vector<1000x1024xf32>
    %dot_general3A_7 = tpu.matmul %get3A_3, %get3A_6, %dot_general3A {dimension_numbers = #tpu.dot_dimension_numbers<[1], [0], [0], [1], [0, 0, 1, 1], [], []>, transpose_lhs_hint = false} : vector<1000x64xf32>, vector<64x1024xf32>, vector<1000x1024xf32> -> vector<1000x1024xf32>
    %get3A_8 = arith.constant 0 : index
    %get3A_9 = arith.constant 0 : index
    %get3A_10 = vector.load %arg7[%get3A_8, %get3A_9] : memref<1x1024xf32, #tpu.memory_space<vmem>>, vector<1x1024xf32>
    %add3A = vector.broadcast %get3A_10 : vector<1x1024xf32> to vector<1000x1024xf32>
    %add3A_11 = arith.addf %dot_general3A_7, %add3A : vector<1000x1024xf32>
    %tanh3A = math.tanh %add3A_11 : vector<1000x1024xf32>
    %mul3A = arith.constant 5.000000e-01 : f32
    %mul3A_12 = vector.broadcast %mul3A : f32 to vector<1000x1024xf32>
    %mul3A_13 = arith.mulf %mul3A_12, %tanh3A : vector<1000x1024xf32>
    %add3A_14 = arith.constant 5.000000e-01 : f32
    %add3A_15 = vector.broadcast %add3A_14 : f32 to vector<1000x1024xf32>
    %add3A_16 = arith.addf %add3A_15, %mul3A_13 : vector<1000x1024xf32>
    %swap3A = arith.constant 0 : index
    %swap3A_17 = arith.constant 0 : index
    %swap3A_18 = vector.load %arg8[%swap3A, %swap3A_17] : memref<1000x1024xf32, #tpu.memory_space<vmem>>, vector<1000x1024xf32>
    tpu.vector_store %arg8[%swap3A, %swap3A_17], %add3A_16 {strides = array<i32>} : memref<1000x1024xf32, #tpu.memory_space<vmem>>, vector<1000x1024xf32>,
    return
  }
  func.func @transform_0(%arg0: i32, %arg1: i32) -> (i32, i32, i32) {
    %c0_i32 = arith.constant 0 : i32
    %c0_i32_0 = arith.constant 0 : i32
    %c0_i32_1 = arith.constant 0 : i32
    return %c0_i32, %arg0, %c0_i32_0 : i32, i32, i32
  }
  func.func @transform_1(%arg0: i32, %arg1: i32) -> (i32, i32) {
    %c0_i32 = arith.constant 0 : i32
    %c0_i32_0 = arith.constant 0 : i32
    return %arg0, %c0_i32 : i32, i32
  }
  func.func @transform_2(%arg0: i32, %arg1: i32) -> (i32, i32) {
    %c0_i32 = arith.constant 0 : i32
    %c0_i32_0 = arith.constant 0 : i32
    return %arg0, %c0_i32 : i32, i32
  }
  func.func @transform_3(%arg0: i32, %arg1: i32) -> (i32, i32) {
    %c0_i32 = arith.constant 0 : i32
    %c0_i32_0 = arith.constant 0 : i32
    %c0_i32_1 = arith.constant 0 : i32
    return %c0_i32, %c0_i32_0 : i32, i32
  }
  func.func @transform_4(%arg0: i32, %arg1: i32) -> (i32, i32) {
    %c0_i32 = arith.constant 0 : i32
    %c0_i32_0 = arith.constant 0 : i32
    return %c0_i32, %arg1 : i32, i32
  }
  func.func @transform_5(%arg0: i32, %arg1: i32) -> (i32, i32) {
    %c0_i32 = arith.constant 0 : i32
    %c0_i32_0 = arith.constant 0 : i32
    return %c0_i32, %arg1 : i32, i32
  }
  func.func @transform_6(%arg0: i32, %arg1: i32) -> (i32, i32) {
    %c0_i32 = arith.constant 0 : i32
    return %arg0, %arg1 : i32, i32
  }
}

</mosaic_0001>

<sc_bundles>
// kernel: kernel.6.cloned.1.call-start
scs
__scs_entry_jumppad:
0x0: {  	(pc) =	sbr.rel $0x88, $3  }
0x1: {  	(tag) =	ssettag $0x0;
	lr =	simm.s32 $0x1  }
0x2: {  	[smem:$0x3F9B] =	sst lr;
	_ =	strace $0xD0000000  }
0x3: {  	_ = 	snop  }
0x4: {  	_ = 	snop  }
0x5: {  	_ = 	snop  }
0x6: {  	_ = 	snop  }
0x7: {  	_ = 	snop  }
__scs_overlays_trampoline_lowered:
0x8: {  	[smem:$0x3FAA] =	sst s0  }
0x9: {  	[smem:$0x3FAB] =	sst s1  }
0xa: {  	[smem:$0x3FAC] =	sst s2  }
0xb: {  	[smem:$0x3FAD] =	sst s3  }
0xc: {  	[smem:$0x3FAE] =	sst s4  }
0xd: {  	[smem:$0x3FAF] =	sst s5  }
0xe: {  	[smem:$0x3FB0] =	sst s6  }
0xf: {  	[smem:$0x3FB1] =	sst s7  }
0x10: {  	[smem:$0x3FB2] =	sst s8  }
0x11: {  	[smem:$0x3FB3] =	sst s9;
	s0 =	simm.s32 @!p0 $0x0  }
0x12: {  	s1 =	sld [smem:$0x3F99];
	s0 =	simm.s32 @p0 $0x1  }
0x13: {  	[smem:$0x3FB4] =	sst s0;
	s0 =	simm.s32 @!p1 $0x0  }
0x14: {  	s2 =	sld [smem:$0x3F98];
	s0 =	simm.s32 @p1 $0x1  }
0x15: {  	[smem:$0x3FB5] =	sst s0;
	s0 =	simm.s32 @!p2 $0x0  }
0x16: {  	s3 =	sld [smem:$0x3FDB];
	s0 =	simm.s32 @p2 $0x1  }
0x17: {  	s4 =	simm.s32 $0x1BF5;
	[smem:$0x3FB7] =	sst s0  }
0x18: {  	s0 =	sld [smem:$0x3F9A];
	_ =	swait.ge [sflag:s4], $0x0  }
0x19: {  	s7 =	sld [smem:$0x3F9B]  }
0x1a: {  	s8 =	sadd.s32 $0xFFFFE003, lr  }
0x1b: {  	s9 =	sadd.s32 $0xFFFFFEF7, lr;
	s5 =	simm.s32 $0xFFFFFFFF;
	p2 =	slt.u32 s8, $0xFFFFF086  }
0x1c: {  	p1 =	slt.u32 s9, $0xF7A;
	s5 =	simm.s32 @!p2 $0x0  }
0x1d: {  	s5 =	simm.s32 @p1 $0x1;
	p0 =	seq.s32 s7, s2  }
0x1e: {  	s7 =	smul.u32 @!p0 $0xF7A, s2;
	p2 =	seq.s32 @!p0 s5, $0x0  }
0x1f: {  	s9 =	smul.u32 $0xF7A, s1;
	s8 =	simm.s32 @!p0 $0x1BF5;
	p2 =	por !p2, p0  }
0x20: {  	[sflag:s8] =	ssyncset.s32 @!p0 $0xFFFFF086;
	s6 =	sadd.s32 @!p0 s3, s7;
	s7 =	simm.s32 @!p0 $0x108  }
0x21: {  	s3 =	sadd.s32 s3, s9;
	s6 =	sadd.s32 @!p0 $0x88, s6;
	s7 =	simm.s32 @p2 $0x1082  }
0x22: {  	[simem:s7], [sflag:s8] =	dma.local @!p0 [hbm:s6], $0xF7A  }
0x23: {  	s9 =	sor.u32 $0xD0000000, s2;
	s6 =	simm.s32 $0x108;
	_ =	swait.ge @!p0 [sflag:s8], $0x0  }
0x24: {  	s3 =	sadd.s32 $0x88, s3;
	s6 =	simm.s32 @!p1 $0x1082;
	[sflag:s4] =	ssyncset.s32 $0xFFFFF086  }
0x25: {  	[simem:s6], [sflag:s4] =	dma.local [hbm:s3], $0xF7A  }
0x26: {  	[smem:$0x3F9B] =	sst s1;
	(tag) =	ssettag s2;
	_ =	strace s9  }
0x27: {  	s1 =	sld [smem:$0x3FAB]  }
0x28: {  	s2 =	sld [smem:$0x3FAC]  }
0x29: {  	s4 =	sld [smem:$0x3FAE]  }
0x2a: {  	p0 =	seq.s32 s5, $0x0;
	s5 =	sld [smem:$0x3FAF]  }
0x2b: {  	s6 =	sld [smem:$0x3FB0]  }
0x2c: {  	s7 =	sld [smem:$0x3FB1]  }
0x2d: {  	s3 =	simm.s32 $0x108;
	s8 =	sld [smem:$0x3FB2]  }
0x2e: {  	s3 =	simm.s32 @!p0 $0x1082;
	s9 =	sld [smem:$0x3FB3]  }
0x2f: {  	lr =	sadd.s32 s0, s3;
	s0 =	sld [smem:$0x3FAA]  }
0x30: {  	s3 =	sld [smem:$0x3FAD]  }
0x31: {  	[smem:$0x3FB6] =	sst s10  }
0x32: {  	s10 =	sld [smem:$0x3FB4];
	_ =	sdelay $0x3  }
0x33: {  	p0 =	seq.s32 s10, $0x1;
	s10 =	sld [smem:$0x3FB6];
	_ =	sdelay $0x3  }
0x34: {  	[smem:$0x3FB6] =	sst s10  }
0x35: {  	s10 =	sld [smem:$0x3FB5];
	_ =	sdelay $0x3  }
0x36: {  	p1 =	seq.s32 s10, $0x1;
	s10 =	sld [smem:$0x3FB6];
	_ =	sdelay $0x3  }
0x37: {  	[smem:$0x3FB6] =	sst s10  }
0x38: {  	s10 =	sld [smem:$0x3FB7]  }
0x39: {  	_ = 	snop;
	(pc) =	sbr.ind lr, $3  }
0x3a: {  	_ = 	snop  }
0x3b: {  	_ = 	snop  }
0x3c: {  	p2 =	seq.s32 s10, $0x1;
	s10 =	sld [smem:$0x3FB6]  }
0x3d: {  	_ =	shalt  }
0x3e: {  	_ =	shalt  }
0x3f: {  	_ =	shalt  }
0x40: {  	_ =	shalt  }
0x41: {  	_ =	shalt  }
0x42: {  	_ =	shalt  }
0x43: {  	_ =	shalt  }
0x44: {  	_ =	shalt  }
0x45: {  	_ =	shalt  }
0x46: {  	_ =	shalt  }
0x47: {  	_ =	shalt  }
0x48: {  	_ =	shalt  }
0x49: {  	_ =	shalt  }
0x4a: {  	_ =	shalt  }
0x4b: {  	_ =	shalt  }
0x4c: {  	_ =	shalt  }
0x4d: {  	_ =	shalt  }
0x4e: {  	_ =	shalt  }
0x4f: {  	_ =	shalt  }
0x50: {  	_ =	shalt  }
0x51: {  	_ =	shalt  }
0x52: {  	_ =	shalt  }
0x53: {  	_ =	shalt  }
0x54: {  	_ =	shalt  }
0x55: {  	_ =	shalt  }
0x56: {  	_ =	shalt  }
0x57: {  	_ =	shalt  }
0x58: {  	_ =	shalt  }
0x59: {  	_ =	shalt  }
0x5a: {  	_ =	shalt  }
0x5b: {  	_ =	shalt  }
0x5c: {  	_ =	shalt  }
0x5d: {  	_ =	shalt  }
0x5e: {  	_ =	shalt  }
0x5f: {  	_ =	shalt  }
0x60: {  	_ =	shalt  }
0x61: {  	_ =	shalt  }
0x62: {  	_ =	shalt  }
0x63: {  	_ =	shalt  }
0x64: {  	_ =	shalt  }
0x65: {  	_ =	shalt  }
0x66: {  	_ =	shalt  }
0x67: {  	_ =	shalt  }
0x68: {  	_ =	shalt  }
0x69: {  	_ =	shalt  }
0x6a: {  	_ =	shalt  }
0x6b: {  	_ =	shalt  }
0x6c: {  	_ =	shalt  }
0x6d: {  	_ =	shalt  }
0x6e: {  	_ =	shalt  }
0x6f: {  	_ =	shalt  }
0x70: {  	_ =	shalt  }
0x71: {  	_ =	shalt  }
0x72: {  	_ =	shalt  }
0x73: {  	_ =	shalt  }
0x74: {  	_ =	shalt  }
0x75: {  	_ =	shalt  }
0x76: {  	_ =	shalt  }
0x77: {  	_ =	shalt  }
0x78: {  	_ =	shalt  }
0x79: {  	_ =	shalt  }
0x7a: {  	_ =	shalt  }
0x7b: {  	_ =	shalt  }
0x7c: {  	_ =	shalt  }
0x7d: {  	_ =	shalt  }
0x7e: {  	_ =	shalt  }
0x7f: {  	_ =	shalt  }
0x80: {  	_ =	shalt  }
0x81: {  	_ =	shalt  }
0x82: {  	_ =	shalt  }
0x83: {  	_ =	shalt  }
0x84: {  	_ =	shalt  }
0x85: {  	_ =	shalt  }
0x86: {  	_ =	shalt  }
0x87: {  	_ =	shalt  }
.Lfunc_end0:
.L_simem_size_0:
called_computation_lowered:
.L_overlay_start_0:
0x88: {  	s2 =	sld [smem:$0x3FD9]  }
0x89: {  	s3 =	sld [smem:$0x3FFE];
	_ =	sdelay $0x1  }
0x8a: {  	s1 =	srdreg.scid  }
0x8b: {  	s0 =	sand.u32 $0x1, s1  }
0x8c: {  	s17 =	sshll.u32 s0, $0xA;
	s2 =	sadd.s32 s3, s2  }
0x8d: {  	s2 =	sadd.s32 s2, s17  }
0x8e: {  	[smem:$0x3FC2] =	sst s2  }
0x8f: {  	_ = 	snop  }
0x90: {  	s2 =	sld [smem:$0x3FD0];
	(tm) =	ssettm $0x1  }
0x91: {  	s18 =	sld [smem:$0x3FFB];
	_ =	sdelay $0x3  }
0x92: {  	_ =	strace s18  }
0x93: {  	s3 =	sld [smem:$0x3FFC];
	_ =	sdelay $0x3  }
0x94: {  	_ =	strace s3  }
0x95: {  	s3 =	sld [smem:$0x3FFD];
	_ =	sdelay $0x3  }
0x96: {  	_ =	strace s3  }
0x97: {  	_ =	strace $0x8FFFFFFF  }
0x98: {  	s19 =	sld [smem:$0x3FDB];
	_ =	sdelay $0x1  }
0x99: {  	s4 =	simm.s32 $_scs_section_size  }
0x9a: {  	s5 =	simm.s32 $_size__tile_overlayer_lowered;
	s6 =	simm.s32 $_tile_overlayer_lowered  }
0x9b: {  	s22 =	simm.s32 $0x1BFF;
	s21 =	sshll.u32 s6, $0x1;
	s3 =	sadd.s32 s4, s19  }
0x9c: {  	s7 =	simm.s32 $0x0;
	s20 =	sshll.u32 s5, $0x1;
	s5 =	sadd.s32 s21, s3  }
0x9d: {  	[timem:s7], [sflag:s22] =	dma.local [hbm:s5], s20  }
0x9e: {  	_ =	swait.ge [sflag:s22], s20  }
0x9f: {  	s4 =	ssub.s32 $0x0, s20;
	[sflag:s22] =	ssyncset.done $0x0  }
0xa0: {  	[sflag:s22] =	ssyncadd.s32 s4;
	_ =	sdelay $0x1  }
0xa1: {  	s23 =	simm.s32 $0x1B8B  }
0xa2: {  	_ =	swait.ge [sflag:s23], $0x1  }
0xa3: {  	[sflag:s23] =	ssyncset.done $0x0  }
0xa4: {  	s25 =	simm.s32 $0x1B8E;
	s24 =	sld [smem:$0x3FFE];
	[sflag:s23] =	ssyncadd.s32 $0xFFFFFFFF  }
0xa5: {  	s26 =	simm.s32 $execute0_lowered;
	[smem:$0x3FD2] =	sst s25  }
0xa6: {  	s5 =	sshll.u32 s26, $0x1;
	_ =	strace $0x80000046;
	[dreg:$0x1] =	wrdreg $0xFFFFFFFF  }
0xa7: {  	s28 =	simm.s32 $_size_execute0_lowered;
	s3 =	sadd.s32 s3, s5;
	[dreg:$0x0] =	wrdreg $0x0  }
0xa8: {  	s5 =	sshll.u32 s28, $0x1;
	[dreg:$0x2] =	wrdreg s3  }
0xa9: {  	[dreg:$0x3] =	wrdreg s5  }
0xaa: {  	[dreg:$0x4] =	wrdreg $0xC0  }
0xab: {  	_ =	task [dreg:s7], $0x5FFFF  }
0xac: {  	[dreg:$0x1] =	wrdreg $0xFFFFFFFF  }
0xad: {  	[dreg:$0x0] =	wrdreg $0x60  }
0xae: {  	[dreg:$0x2] =	wrdreg s24  }
0xaf: {  	[dreg:$0x3] =	wrdreg s2  }
0xb0: {  	[dreg:$0x4] =	wrdreg $0x57D00  }
0xb1: {  	[dreg:$0x5] =	wrdreg $0x9  }
0xb2: {  	_ =	task.clear_ibuf [dreg:s7], $0x6FFFF;
	_ =	strace $0x90000046  }
0xb3: {  	s29 =	simm.s32 $0x9;
	_ =	strace $0x80000048  }
0xb4: {  	_ =	swait.ge [sflag:s29], $0x1  }
0xb5: {  	[sflag:s29] =	ssyncadd.s32 $0xFFFFFFFF  }
0xb6: {  	_ =	strace $0x90000048  }
0xb7: {  	_ =	sfence  }
0xb8: {  	s30 =	sld [smem:$0x0];
	_ =	sdelay $0x2  }
0xb9: {  	s31 =	sshll.u32 s1, $0xD;
	s1 =	sshrl.u32 s1, $0x2  }
0xba: {  	s3 =	sand.u32 $0x4000, s31;
	s1 =	sadd.s32 s1, s30  }
0xbb: {  	s0 =	sor.u32 s3, s0;
	s1 =	sshll.u32 s1, $0x11  }
0xbc: {  	s0 =	sor.u32 s1, s0  }
0xbd: {  	s0 =	sadd.s32 $0x8F2B, s0  }
0xbe: {  	[sflag:s0] =	ssyncadd.remote.s32 $0x1  }
0xbf: {  	_ =	sfence.sel $0xFFFF  }
0xc0: {  	[dreg:$0x0] =	wrdreg $0xFFFFFFFF;
	(pc) =	sbr.abs _section_cstart, $3  }
0xc1: {  	[dreg:$0x1] =	wrdreg $0xFFFFFFFF  }
0xc2: {  	_ =	task.clear_ibuf [dreg:s7], $0x2FFFF;
	_ =	strace $0x9FFFFFFF  }
0xc3: {  	(tm) =	ssettm $0x7FFFFFFF  }
tec
execute0_lowered:
.L_overlay_start_1:
0x0: {  	(tag) =	ssettag $0x1  }
0x1: {  	s6 =	rddreg [dreg:$0x0]  }
0x2: {  	s2 =	rddreg [dreg:$0x1];
	s0 =	srdreg.scid  }
0x3: {  	s3 =	rddreg [dreg:$0x2];
	s1 =	stileid.u32  }
0x4: {  	s4 =	simm.s32 $0x0;
	s12 =	simm.s32 $0x5000;
	s13 =	simm.s32 $0x7D  }
0x5: {  	s16 =	simm.s32 $0x0;
	s5 =	sand.u32 $0x1, s0;
	s0 =	rddreg [dreg:$0x3]  }
0x6: {  	s8 =	smul.u32 $0x2800, s1;
	[smem:$0x7FF] =	sst s4;
	s14 =	sshll.u32 s1, $0x6  }
0x7: {  	s7 =	sshll.u32 s5, $0x4;
	s9 =	smul.u32 $0x28000, s5;
	_ =	strace $0x80000047  }
0x8: {  	s10 =	ssub.s32 $0x2, s5;
	s5 =	sadd.s32 $0xB200, s6;
	s7 =	sor.u32 s1, s7  }
0x9: {  	s11 =	sshrl.u32 s10, $0x1;
	s7 =	smul.u32 $0x500, s7;
	s9 =	sadd.s32 s8, s9  }
0xa: {  	s14 =	sor.u32 $0x1C01, s14;
	s10 =	ssub.s32 s10, s11;
	s9 =	sshrl.u32 s9, $0x3  }
0xb: {  	s11 =	simm.s32 $0x2800;
	s7 =	sadd.s32 s7, s6;
	s9 =	sadd.s32 s9, s6  }
0xc: {  	s6 =	sadd.s32 $0x1200, s7;
	s7 =	sadd.s32 s8, s3;
	s8 =	sadd.s32 $0xB400, s9  }
0xd: {  	s9 =	smax.u32 s10, $0x1;
	s10 =	simm.s32 $0x1;
	s15 =	sshrl.u32 s7, $0x3  }
.LBB2_1:
0xe: {  	[tilespmem:s4], [sflag:$0x1] =	stream.linear.gather [hbm4b:s6+s4], $0x2800, $0x38;
	[tilespmem:$0x7FD0] =	vst v63  }
0xf: {  	_ =	swait.ge [sflag:s10], $0x2800  }
0x10: {  	[sflag:s10] =	ssyncset.done $0x0  }
0x11: {  	[sflag:s10] =	ssyncadd.s32 $0xFFFFD800  }
0x12: {  	[tilespmem:s11], [sflag:$0x1] =	stream.linear.gather [hbm4b:s2+s4], $0x2800, $0x38;
	[tilespmem:$0x7FD0] =	vst v63  }
0x13: {  	_ =	swait.ge [sflag:s10], $0x2800  }
0x14: {  	[sflag:s10] =	ssyncset.done $0x0  }
0x15: {  	[sflag:s10] =	ssyncadd.s32 $0xFFFFD800  }
0x16: {  	[spmem:s7] =	stream.linear.scatter [tilespmem:s11], [sflag:$0x1], $0x2800, $0x38;
	[tilespmem:$0x7FD0] =	vst v63  }
0x17: {  	_ =	swait.ge [sflag:s10], $0x2800  }
0x18: {  	[sflag:s10] =	ssyncset.done $0x0  }
0x19: {  	[sflag:s10] =	ssyncadd.s32 $0xFFFFD800  }
0x1a: {  	[tilespmem:s12], [sflag:$0x1] =	stream.linear.gather [hbm4b:s5+s4], $0x7D0, $0x38;
	[tilespmem:$0x7FD0] =	vst v63  }
0x1b: {  	_ =	swait.ge [sflag:s10], $0x7D0  }
0x1c: {  	[sflag:s10] =	ssyncset.done $0x0  }
0x1d: {  	[sflag:s10] =	ssyncadd.s32 $0xFFFFF830  }
0x1e: {  	s17 =	simm.s32 $0x0;
	[bflag:$0x0] =	sbarrier.arrive $0xFFFF  }
0x1f: {  	[spmem:s3] =	stream.indirect.scatter.add.f32 [tilespmem:s12], [sflag:$0x1], $0x10, s17, s13, $0xb8;
	[tilespmem:$0x7FD0] =	vst v63  }
0x20: {  	_ =	swait.ge [sflag:s10], $0x7D0  }
0x21: {  	s17 =	simm.s32 $0x200;
	[sflag:s10] =	ssyncset.done $0x0  }
.LBB2_2:
0x22: {  	s18 =	sshra.s32 s17, $0x2;
	[sflag:s10] =	ssyncadd.s32 $0xFFFFF830;
	p0 =	sne.s32 s17, $0x9E00  }
0x23: {  	[spmem:s3] =	stream.indirect.scatter.add.f32 [tilespmem:s12], [sflag:$0x1], $0x10, s18, s13, $0xb8;
	[tilespmem:$0x7FD0] =	vst v63  }
.Ltmp0:
0x24: {  	_ = 	snop;
	(pc) =	sbr.rel @p0 .LBB2_2-.Ltmp0, $4  }
0x25: {  	_ = 	snop  }
0x26: {  	s17 =	sadd.s32 $0x200, s17  }
0x27: {  	_ =	swait.ge [sflag:s10], $0x7D0  }
0x28: {  	[sflag:s10] =	ssyncset.done $0x0  }
0x29: {  	s16 =	sadd.s32 $0x1, s16  }
0x2a: {  	[sflag:s10] =	ssyncadd.s32 $0xFFFFF830;
	p0 =	sne.s32 s16, s9  }
.Ltmp1:
0x2b: {  	[bflag:$0x0] =	sbarrier.arrive $0xFFFF;
	(pc) =	sbr.rel @p0 .LBB2_1-.Ltmp1, $4  }
0x2c: {  	[hbm:s8], [sflag:s14] =	dma.local [spmem:s15], $0x500  }
0x2d: {  	_ =	swait.ge [sflag:s10], $0x500  }
0x2e: {  	[sflag:s10] =	ssyncset.done $0x0  }
0x2f: {  	[sflag:s10] =	ssyncadd.s32 $0xFFFFFB00  }
0x30: {  	_ =	sfence.sel $0x180000  }
0x31: {  	[bflag:$0x0] =	sbarrier.arrive $0xFFFF  }
0x32: {  	p0 =	sne.s32 s1, $0x0;
	_ =	strace $0x90000047  }
0x33: {  	s0 =	sadd.s32 @!p0 $0x100000, s0;
	[bflag:$0x2] =	sbarrier.arrive $0xFFFF  }
0x34: {  	[sflag:s0] =	ssyncadd.tile.s32 @!p0 $0x1;
	_ =	shalt  }
.Lfunc_end2:
_tile_overlayer_lowered:
.L_overlay_start_2:
0x35: {  	(tag) =	ssettag $0x2  }
0x36: {  	s0 =	rddreg [dreg:$0x0];
	s2 =	stileid.u32  }
0x37: {  	s1 =	rddreg [dreg:$0x1];
	p0 =	sne.s32 s2, $0x0  }
0x38: {  	s3 =	rddreg [dreg:$0x2];
	[bflag:$0x3] =	sbarrier.arrive $0xFFFF;
	s2 =	simm.s32 @!p0 $0x1C01  }
0x39: {  	[timem:s3], [sflag:s2] =	dma.local @!p0 [hbm:s0], s1  }
0x3a: {  	s0 =	simm.s32 @!p0 $0x1  }
0x3b: {  	_ =	swait.ge @!p0 [sflag:s0], s1  }
0x3c: {  	s1 =	ssub.s32 @!p0 $0x0, s1;
	[sflag:s0] =	ssyncset.done @!p0 $0x0  }
0x3d: {  	[sflag:s0] =	ssyncadd.s32 @!p0 s1  }
0x3e: {  	[bflag:$0x3] =	sbarrier.arrive $0xFFFF  }
0x3f: {  	_ =	shalt  }

// kernel: kernel.9.cloned.1.call-start
scs
__scs_entry_jumppad:
0x0: {  	(pc) =	sbr.rel $0x88, $3  }
0x1: {  	(tag) =	ssettag $0x0;
	lr =	simm.s32 $0x1  }
0x2: {  	[smem:$0x3F9B] =	sst lr;
	_ =	strace $0xD0000000  }
0x3: {  	_ = 	snop  }
0x4: {  	_ = 	snop  }
0x5: {  	_ = 	snop  }
0x6: {  	_ = 	snop  }
0x7: {  	_ = 	snop  }
__scs_overlays_trampoline_lowered:
0x8: {  	[smem:$0x3FAA] =	sst s0  }
0x9: {  	[smem:$0x3FAB] =	sst s1  }
0xa: {  	[smem:$0x3FAC] =	sst s2  }
0xb: {  	[smem:$0x3FAD] =	sst s3  }
0xc: {  	[smem:$0x3FAE] =	sst s4  }
0xd: {  	[smem:$0x3FAF] =	sst s5  }
0xe: {  	[smem:$0x3FB0] =	sst s6  }
0xf: {  	[smem:$0x3FB1] =	sst s7  }
0x10: {  	[smem:$0x3FB2] =	sst s8  }
0x11: {  	[smem:$0x3FB3] =	sst s9;
	s0 =	simm.s32 @!p0 $0x0  }
0x12: {  	s1 =	sld [smem:$0x3F99];
	s0 =	simm.s32 @p0 $0x1  }
0x13: {  	[smem:$0x3FB4] =	sst s0;
	s0 =	simm.s32 @!p1 $0x0  }
0x14: {  	s2 =	sld [smem:$0x3F98];
	s0 =	simm.s32 @p1 $0x1  }
0x15: {  	[smem:$0x3FB5] =	sst s0;
	s0 =	simm.s32 @!p2 $0x0  }
0x16: {  	s3 =	sld [smem:$0x3FDB];
	s0 =	simm.s32 @p2 $0x1  }
0x17: {  	s4 =	simm.s32 $0x1BF5;
	[smem:$0x3FB7] =	sst s0  }
0x18: {  	s0 =	sld [smem:$0x3F9A];
	_ =	swait.ge [sflag:s4], $0x0  }
0x19: {  	s7 =	sld [smem:$0x3F9B]  }
0x1a: {  	s8 =	sadd.s32 $0xFFFFE003, lr  }
0x1b: {  	s9 =	sadd.s32 $0xFFFFFEF7, lr;
	s5 =	simm.s32 $0xFFFFFFFF;
	p2 =	slt.u32 s8, $0xFFFFF086  }
0x1c: {  	p1 =	slt.u32 s9, $0xF7A;
	s5 =	simm.s32 @!p2 $0x0  }
0x1d: {  	s5 =	simm.s32 @p1 $0x1;
	p0 =	seq.s32 s7, s2  }
0x1e: {  	s7 =	smul.u32 @!p0 $0xF7A, s2;
	p2 =	seq.s32 @!p0 s5, $0x0  }
0x1f: {  	s9 =	smul.u32 $0xF7A, s1;
	s8 =	simm.s32 @!p0 $0x1BF5;
	p2 =	por !p2, p0  }
0x20: {  	[sflag:s8] =	ssyncset.s32 @!p0 $0xFFFFF086;
	s6 =	sadd.s32 @!p0 s3, s7;
	s7 =	simm.s32 @!p0 $0x108  }
0x21: {  	s3 =	sadd.s32 s3, s9;
	s6 =	sadd.s32 @!p0 $0x88, s6;
	s7 =	simm.s32 @p2 $0x1082  }
0x22: {  	[simem:s7], [sflag:s8] =	dma.local @!p0 [hbm:s6], $0xF7A  }
0x23: {  	s9 =	sor.u32 $0xD0000000, s2;
	s6 =	simm.s32 $0x108;
	_ =	swait.ge @!p0 [sflag:s8], $0x0  }
0x24: {  	s3 =	sadd.s32 $0x88, s3;
	s6 =	simm.s32 @!p1 $0x1082;
	[sflag:s4] =	ssyncset.s32 $0xFFFFF086  }
0x25: {  	[simem:s6], [sflag:s4] =	dma.local [hbm:s3], $0xF7A  }
0x26: {  	[smem:$0x3F9B] =	sst s1;
	(tag) =	ssettag s2;
	_ =	strace s9  }
0x27: {  	s1 =	sld [smem:$0x3FAB]  }
0x28: {  	s2 =	sld [smem:$0x3FAC]  }
0x29: {  	s4 =	sld [smem:$0x3FAE]  }
0x2a: {  	p0 =	seq.s32 s5, $0x0;
	s5 =	sld [smem:$0x3FAF]  }
0x2b: {  	s6 =	sld [smem:$0x3FB0]  }
0x2c: {  	s7 =	sld [smem:$0x3FB1]  }
0x2d: {  	s3 =	simm.s32 $0x108;
	s8 =	sld [smem:$0x3FB2]  }
0x2e: {  	s3 =	simm.s32 @!p0 $0x1082;
	s9 =	sld [smem:$0x3FB3]  }
0x2f: {  	lr =	sadd.s32 s0, s3;
	s0 =	sld [smem:$0x3FAA]  }
0x30: {  	s3 =	sld [smem:$0x3FAD]  }
0x31: {  	[smem:$0x3FB6] =	sst s10  }
0x32: {  	s10 =	sld [smem:$0x3FB4];
	_ =	sdelay $0x3  }
0x33: {  	p0 =	seq.s32 s10, $0x1;
	s10 =	sld [smem:$0x3FB6];
	_ =	sdelay $0x3  }
0x34: {  	[smem:$0x3FB6] =	sst s10  }
0x35: {  	s10 =	sld [smem:$0x3FB5];
	_ =	sdelay $0x3  }
0x36: {  	p1 =	seq.s32 s10, $0x1;
	s10 =	sld [smem:$0x3FB6];
	_ =	sdelay $0x3  }
0x37: {  	[smem:$0x3FB6] =	sst s10  }
0x38: {  	s10 =	sld [smem:$0x3FB7]  }
0x39: {  	_ = 	snop;
	(pc) =	sbr.ind lr, $3  }
0x3a: {  	_ = 	snop  }
0x3b: {  	_ = 	snop  }
0x3c: {  	p2 =	seq.s32 s10, $0x1;
	s10 =	sld [smem:$0x3FB6]  }
0x3d: {  	_ =	shalt  }
0x3e: {  	_ =	shalt  }
0x3f: {  	_ =	shalt  }
0x40: {  	_ =	shalt  }
0x41: {  	_ =	shalt  }
0x42: {  	_ =	shalt  }
0x43: {  	_ =	shalt  }
0x44: {  	_ =	shalt  }
0x45: {  	_ =	shalt  }
0x46: {  	_ =	shalt  }
0x47: {  	_ =	shalt  }
0x48: {  	_ =	shalt  }
0x49: {  	_ =	shalt  }
0x4a: {  	_ =	shalt  }
0x4b: {  	_ =	shalt  }
0x4c: {  	_ =	shalt  }
0x4d: {  	_ =	shalt  }
0x4e: {  	_ =	shalt  }
0x4f: {  	_ =	shalt  }
0x50: {  	_ =	shalt  }
0x51: {  	_ =	shalt  }
0x52: {  	_ =	shalt  }
0x53: {  	_ =	shalt  }
0x54: {  	_ =	shalt  }
0x55: {  	_ =	shalt  }
0x56: {  	_ =	shalt  }
0x57: {  	_ =	shalt  }
0x58: {  	_ =	shalt  }
0x59: {  	_ =	shalt  }
0x5a: {  	_ =	shalt  }
0x5b: {  	_ =	shalt  }
0x5c: {  	_ =	shalt  }
0x5d: {  	_ =	shalt  }
0x5e: {  	_ =	shalt  }
0x5f: {  	_ =	shalt  }
0x60: {  	_ =	shalt  }
0x61: {  	_ =	shalt  }
0x62: {  	_ =	shalt  }
0x63: {  	_ =	shalt  }
0x64: {  	_ =	shalt  }
0x65: {  	_ =	shalt  }
0x66: {  	_ =	shalt  }
0x67: {  	_ =	shalt  }
0x68: {  	_ =	shalt  }
0x69: {  	_ =	shalt  }
0x6a: {  	_ =	shalt  }
0x6b: {  	_ =	shalt  }
0x6c: {  	_ =	shalt  }
0x6d: {  	_ =	shalt  }
0x6e: {  	_ =	shalt  }
0x6f: {  	_ =	shalt  }
0x70: {  	_ =	shalt  }
0x71: {  	_ =	shalt  }
0x72: {  	_ =	shalt  }
0x73: {  	_ =	shalt  }
0x74: {  	_ =	shalt  }
0x75: {  	_ =	shalt  }
0x76: {  	_ =	shalt  }
0x77: {  	_ =	shalt  }
0x78: {  	_ =	shalt  }
0x79: {  	_ =	shalt  }
0x7a: {  	_ =	shalt  }
0x7b: {  	_ =	shalt  }
0x7c: {  	_ =	shalt  }
0x7d: {  	_ =	shalt  }
0x7e: {  	_ =	shalt  }
0x7f: {  	_ =	shalt  }
0x80: {  	_ =	shalt  }
0x81: {  	_ =	shalt  }
0x82: {  	_ =	shalt  }
0x83: {  	_ =	shalt  }
0x84: {  	_ =	shalt  }
0x85: {  	_ =	shalt  }
0x86: {  	_ =	shalt  }
0x87: {  	_ =	shalt  }
.Lfunc_end0:
.L_simem_size_0:
called_computation.1_lowered:
.L_overlay_start_0:
0x88: {  	s2 =	sld [smem:$0x3FD9]  }
0x89: {  	s3 =	sld [smem:$0x3FFE];
	_ =	sdelay $0x1  }
0x8a: {  	s1 =	srdreg.scid  }
0x8b: {  	s0 =	sand.u32 $0x1, s1  }
0x8c: {  	s17 =	sshll.u32 s0, $0xA;
	s2 =	sadd.s32 s3, s2  }
0x8d: {  	s2 =	sadd.s32 s2, s17  }
0x8e: {  	[smem:$0x3FC2] =	sst s2  }
0x8f: {  	_ = 	snop  }
0x90: {  	s2 =	sld [smem:$0x3FD0];
	(tm) =	ssettm $0x1  }
0x91: {  	s18 =	sld [smem:$0x3FFB];
	_ =	sdelay $0x3  }
0x92: {  	_ =	strace s18  }
0x93: {  	s3 =	sld [smem:$0x3FFC];
	_ =	sdelay $0x3  }
0x94: {  	_ =	strace s3  }
0x95: {  	s3 =	sld [smem:$0x3FFD];
	_ =	sdelay $0x3  }
0x96: {  	_ =	strace s3  }
0x97: {  	_ =	strace $0x8FFFFFFF  }
0x98: {  	s19 =	sld [smem:$0x3FDB];
	_ =	sdelay $0x1  }
0x99: {  	s4 =	simm.s32 $_scs_section_size  }
0x9a: {  	s5 =	simm.s32 $_size__tile_overlayer_lowered;
	s6 =	simm.s32 $_tile_overlayer_lowered  }
0x9b: {  	s22 =	simm.s32 $0x1BFF;
	s21 =	sshll.u32 s6, $0x1;
	s3 =	sadd.s32 s4, s19  }
0x9c: {  	s7 =	simm.s32 $0x0;
	s20 =	sshll.u32 s5, $0x1;
	s5 =	sadd.s32 s21, s3  }
0x9d: {  	[timem:s7], [sflag:s22] =	dma.local [hbm:s5], s20  }
0x9e: {  	_ =	swait.ge [sflag:s22], s20  }
0x9f: {  	s4 =	ssub.s32 $0x0, s20;
	[sflag:s22] =	ssyncset.done $0x0  }
0xa0: {  	[sflag:s22] =	ssyncadd.s32 s4;
	_ =	sdelay $0x1  }
0xa1: {  	s23 =	simm.s32 $0x1B8B  }
0xa2: {  	_ =	swait.ge [sflag:s23], $0x1  }
0xa3: {  	[sflag:s23] =	ssyncset.done $0x0  }
0xa4: {  	s25 =	simm.s32 $0x1B8E;
	s24 =	sld [smem:$0x3FFE];
	[sflag:s23] =	ssyncadd.s32 $0xFFFFFFFF  }
0xa5: {  	s26 =	simm.s32 $execute0_lowered;
	[smem:$0x3FD2] =	sst s25  }
0xa6: {  	s5 =	sshll.u32 s26, $0x1;
	_ =	strace $0x80000049;
	[dreg:$0x1] =	wrdreg $0xFFFFFFFF  }
0xa7: {  	s28 =	simm.s32 $_size_execute0_lowered;
	s3 =	sadd.s32 s3, s5;
	[dreg:$0x0] =	wrdreg $0x0  }
0xa8: {  	s5 =	sshll.u32 s28, $0x1;
	[dreg:$0x2] =	wrdreg s3  }
0xa9: {  	[dreg:$0x3] =	wrdreg s5  }
0xaa: {  	[dreg:$0x4] =	wrdreg $0xC0  }
0xab: {  	_ =	task [dreg:s7], $0x5FFFF  }
0xac: {  	[dreg:$0x1] =	wrdreg $0xFFFFFFFF  }
0xad: {  	[dreg:$0x0] =	wrdreg $0x60  }
0xae: {  	[dreg:$0x2] =	wrdreg s24  }
0xaf: {  	[dreg:$0x3] =	wrdreg s2  }
0xb0: {  	[dreg:$0x4] =	wrdreg $0x10F400  }
0xb1: {  	[dreg:$0x5] =	wrdreg $0x9  }
0xb2: {  	_ =	task.clear_ibuf [dreg:s7], $0x6FFFF;
	_ =	strace $0x90000049  }
0xb3: {  	s29 =	simm.s32 $0x9;
	_ =	strace $0x8000004B  }
0xb4: {  	_ =	swait.ge [sflag:s29], $0x1  }
0xb5: {  	[sflag:s29] =	ssyncadd.s32 $0xFFFFFFFF  }
0xb6: {  	_ =	strace $0x9000004B  }
0xb7: {  	_ =	sfence  }
0xb8: {  	s30 =	sld [smem:$0x0];
	_ =	sdelay $0x2  }
0xb9: {  	s31 =	sshll.u32 s1, $0xD;
	s1 =	sshrl.u32 s1, $0x2  }
0xba: {  	s3 =	sand.u32 $0x4000, s31;
	s1 =	sadd.s32 s1, s30  }
0xbb: {  	s0 =	sor.u32 s3, s0;
	s1 =	sshll.u32 s1, $0x11  }
0xbc: {  	s0 =	sor.u32 s1, s0  }
0xbd: {  	s0 =	sadd.s32 $0x8F2B, s0  }
0xbe: {  	[sflag:s0] =	ssyncadd.remote.s32 $0x1  }
0xbf: {  	_ =	sfence.sel $0xFFFF  }
0xc0: {  	[dreg:$0x0] =	wrdreg $0xFFFFFFFF;
	(pc) =	sbr.abs _section_cstart, $3  }
0xc1: {  	[dreg:$0x1] =	wrdreg $0xFFFFFFFF  }
0xc2: {  	_ =	task.clear_ibuf [dreg:s7], $0x2FFFF;
	_ =	strace $0x9FFFFFFF  }
0xc3: {  	(tm) =	ssettm $0x7FFFFFFF  }
tec
execute0_lowered:
.L_overlay_start_1:
0x0: {  	(tag) =	ssettag $0x1  }
0x1: {  	s5 =	rddreg [dreg:$0x0]  }
0x2: {  	s9 =	rddreg [dreg:$0x1]  }
0x3: {  	s0 =	srdreg.scid;
	s2 =	rddreg [dreg:$0x2]  }
0x4: {  	s3 =	simm.s32 $0x0;
	s13 =	simm.s32 $0x5000;
	s14 =	simm.s32 $0x7D  }
0x5: {  	s15 =	simm.s32 $0xF000;
	s4 =	sand.u32 $0x1, s0;
	s0 =	stileid.u32  }
0x6: {  	s18 =	simm.s32 $0x0;
	[smem:$0x7FF] =	sst s3;
	s8 =	smul.u32 $0xA000, s0  }
0x7: {  	s1 =	sshll.u32 s4, $0x4;
	s7 =	ssub.s32 $0x2, s4;
	s10 =	smul.u32 $0xA0000, s4  }
0x8: {  	s4 =	sadd.s32 $0x1F400, s5;
	s16 =	sshll.u32 s0, $0x6;
	s6 =	sor.u32 s0, s1  }
0x9: {  	s1 =	rddreg [dreg:$0x3];
	_ =	strace $0x8000004A;
	s31 =	sshrl.u32 s7, $0x1  }
0xa: {  	s16 =	sor.u32 $0x1C01, s16;
	s6 =	smul.u32 $0x500, s6;
	s10 =	sadd.s32 s8, s10  }
0xb: {  	s12 =	ssub.s32 s7, s31;
	s8 =	sadd.s32 s8, s2;
	s10 =	sshrl.u32 s10, $0x3  }
0xc: {  	s17 =	sshrl.u32 s8, $0x3;
	s11 =	sadd.s32 s6, s5;
	s5 =	sadd.s32 $0xB200, s5  }
0xd: {  	s9 =	sadd.s32 s9, s10;
	s10 =	smax.u32 s12, $0x1;
	s12 =	simm.s32 $0x2800  }
0xe: {  	s6 =	sadd.s32 $0x15400, s11;
	s7 =	sadd.s32 $0x1200, s11;
	s11 =	simm.s32 $0x1  }
.LBB2_1:
0xf: {  	[tilespmem:s3], [sflag:$0x1] =	stream.linear.gather [hbm4b:s6+s3], $0x2800, $0x38;
	[tilespmem:$0x1AF40] =	vst v63  }
0x10: {  	_ =	swait.ge [sflag:s11], $0x2800  }
0x11: {  	[sflag:s11] =	ssyncset.done $0x0  }
0x12: {  	[sflag:s11] =	ssyncadd.s32 $0xFFFFD800  }
0x13: {  	[tilespmem:s12], [sflag:$0x1] =	stream.linear.gather [hbm4b:s7+s3], $0x2800, $0x38;
	[tilespmem:$0x1AF40] =	vst v63  }
0x14: {  	_ =	swait.ge [sflag:s11], $0x2800  }
0x15: {  	[sflag:s11] =	ssyncset.done $0x0  }
0x16: {  	[sflag:s11] =	ssyncadd.s32 $0xFFFFD800  }
0x17: {  	[tilespmem:s13], [sflag:$0x1] =	stream.linear.gather [hbm4b:s5+s3], $0xA000, $0x38;
	[tilespmem:$0x1AF40] =	vst v63  }
0x18: {  	_ =	swait.ge [sflag:s11], $0xA000  }
0x19: {  	[sflag:s11] =	ssyncset.done $0x0  }
0x1a: {  	[sflag:s11] =	ssyncadd.s32 $0xFFFF6000  }
0x1b: {  	[spmem:s8] =	stream.linear.scatter [tilespmem:s13], [sflag:$0x1], $0xA000, $0x38;
	[tilespmem:$0x1AF40] =	vst v63  }
0x1c: {  	_ =	swait.ge [sflag:s11], $0xA000  }
0x1d: {  	[sflag:s11] =	ssyncset.done $0x0  }
0x1e: {  	[sflag:s11] =	ssyncadd.s32 $0xFFFF6000  }
0x1f: {  	s19 =	simm.s32 $0x0;
	[bflag:$0x0] =	sbarrier.arrive $0xFFFF  }
0x20: {  	[tilespmem:s15], [sflag:$0x1] =	stream.indirect.gather [hbm4b:s4+s14], $0x40, s19, s14, $0xb8;
	[tilespmem:$0x1AF40] =	vst v63  }
0x21: {  	_ =	swait.ge [sflag:s11], $0x1F40  }
0x22: {  	[sflag:s11] =	ssyncset.done $0x0  }
0x23: {  	s31 =	simm.s32 $0x2800;
	[sflag:s11] =	ssyncadd.s32 $0xFFFFE0C0  }
0x24: {  	[spmem:s2] =	stream.indirect.scatter.add.f32 [tilespmem:s15], [sflag:$0x1], $0x40, s31, s14, $0xb8;
	[tilespmem:$0x1AF40] =	vst v63  }
0x25: {  	_ =	swait.ge [sflag:s11], $0x1F40  }
0x26: {  	s20 =	simm.s32 $0x400;
	s19 =	simm.s32 $0x200;
	[sflag:s11] =	ssyncset.done $0x0  }
.LBB2_2:
0x27: {  	s21 =	sshra.s32 s19, $0x2  }
0x28: {  	[sflag:s11] =	ssyncadd.s32 $0xFFFFE0C0;
	s19 =	smov.u32 s20;
	s22 =	sadd.s32 $0x200, s20  }
0x29: {  	[tilespmem:s15], [sflag:$0x1] =	stream.indirect.gather [hbm4b:s4+s14], $0x40, s21, s14, $0xb8;
	[tilespmem:$0x1AF40] =	vst v63  }
0x2a: {  	p0 =	sne.s32 s20, $0x9E00;
	_ =	swait.ge [sflag:s11], $0x1F40  }
.Ltmp0:
0x2b: {  	[sflag:s11] =	ssyncset.done $0x0;
	(pc) =	sbr.rel @p0 .LBB2_2-.Ltmp0, $4  }
0x2c: {  	s20 =	sadd.s32 $0x2800, s21;
	[sflag:s11] =	ssyncadd.s32 $0xFFFFE0C0  }
0x2d: {  	[spmem:s2] =	stream.indirect.scatter.add.f32 [tilespmem:s15], [sflag:$0x1], $0x40, s20, s14, $0xb8;
	[tilespmem:$0x1AF40] =	vst v63  }
0x2e: {  	_ =	swait.ge [sflag:s11], $0x1F40  }
0x2f: {  	s20 =	smov.u32 s22;
	[sflag:s11] =	ssyncset.done $0x0  }
0x30: {  	s19 =	sshra.s32 s19, $0x2;
	[sflag:s11] =	ssyncadd.s32 $0xFFFFE0C0  }
0x31: {  	[tilespmem:s15], [sflag:$0x1] =	stream.indirect.gather [hbm4b:s4+s14], $0x40, s19, s14, $0xb8;
	[tilespmem:$0x1AF40] =	vst v63  }
0x32: {  	_ =	swait.ge [sflag:s11], $0x1F40  }
0x33: {  	[sflag:s11] =	ssyncset.done $0x0  }
0x34: {  	s19 =	sadd.s32 $0x2800, s19;
	[sflag:s11] =	ssyncadd.s32 $0xFFFFE0C0  }
0x35: {  	[spmem:s2] =	stream.indirect.scatter.add.f32 [tilespmem:s15], [sflag:$0x1], $0x40, s19, s14, $0xb8;
	[tilespmem:$0x1AF40] =	vst v63  }
0x36: {  	_ =	swait.ge [sflag:s11], $0x1F40  }
0x37: {  	s18 =	sadd.s32 $0x1, s18;
	[sflag:s11] =	ssyncset.done $0x0  }
0x38: {  	p0 =	sne.s32 s18, s10;
	[sflag:s11] =	ssyncadd.s32 $0xFFFFE0C0  }
.Ltmp1:
0x39: {  	[bflag:$0x0] =	sbarrier.arrive $0xFFFF;
	(pc) =	sbr.rel @p0 .LBB2_1-.Ltmp1, $4  }
0x3a: {  	[hbm:s9], [sflag:s16] =	dma.local [spmem:s17], $0x1400  }
0x3b: {  	_ =	swait.ge [sflag:s11], $0x1400  }
0x3c: {  	[sflag:s11] =	ssyncset.done $0x0  }
0x3d: {  	[sflag:s11] =	ssyncadd.s32 $0xFFFFEC00  }
0x3e: {  	_ =	sfence.sel $0x180000  }
0x3f: {  	[bflag:$0x0] =	sbarrier.arrive $0xFFFF  }
0x40: {  	p0 =	sne.s32 s0, $0x0;
	_ =	strace $0x9000004A  }
0x41: {  	s0 =	sadd.s32 @!p0 $0x100000, s1;
	[bflag:$0x2] =	sbarrier.arrive $0xFFFF  }
0x42: {  	[sflag:s0] =	ssyncadd.tile.s32 @!p0 $0x1;
	_ =	shalt  }
.Lfunc_end2:
_tile_overlayer_lowered:
.L_overlay_start_2:
0x43: {  	(tag) =	ssettag $0x2  }
0x44: {  	s0 =	rddreg [dreg:$0x0];
	s2 =	stileid.u32  }
0x45: {  	s1 =	rddreg [dreg:$0x1];
	p0 =	sne.s32 s2, $0x0  }
0x46: {  	s3 =	rddreg [dreg:$0x2];
	[bflag:$0x3] =	sbarrier.arrive $0xFFFF;
	s2 =	simm.s32 @!p0 $0x1C01  }
0x47: {  	[timem:s3], [sflag:s2] =	dma.local @!p0 [hbm:s0], s1  }
0x48: {  	s0 =	simm.s32 @!p0 $0x1  }
0x49: {  	_ =	swait.ge @!p0 [sflag:s0], s1  }
0x4a: {  	s1 =	ssub.s32 @!p0 $0x0, s1;
	[sflag:s0] =	ssyncset.done @!p0 $0x0  }
0x4b: {  	[sflag:s0] =	ssyncadd.s32 @!p0 s1  }
0x4c: {  	[bflag:$0x3] =	sbarrier.arrive $0xFFFF  }
0x4d: {  	_ =	shalt  }

</sc_bundles>
